<compile_context>
chip_gen: v7x
topology: tpu7x:2x2x1
jax: 0.10.2.dev20260603
libtpu: 0.0.44.dev20260713+nightly
codegen_flags: <defaults>
</compile_context>

<pallas_src>
import functools

import jax
import jax.numpy as jnp
from jax import lax
from jax.experimental import pallas as pl
from jax.experimental.pallas import tpu as pltpu
from jax.experimental.pallas import tpu_sc as plsc

N_NODES, N_EDGES, D_IN, HID, WIDTH, D_OUT = 10000, 320000, 128, 64, 3, 128
F_MID = HID * WIDTH
F_WIDE = D_OUT * WIDTH

NCORES, NSUB = 2, 16
NPAD = 10240
ROWS_PER_TILE = NPAD // NSUB
BLK = 128
NBLK = 160
EDGES_PER_TILE = NBLK * BLK
E_PAD = NSUB * EDGES_PER_TILE

TC_ROWS = 512


@functools.lru_cache(maxsize=None)
def _make_sc_aggr(fpart, with_deg, nbuf):
  mesh = plsc.VectorSubcoreMesh(core_axis_name="c", subcore_axis_name="s",
                                num_cores=NCORES, num_subcores=NSUB)

  out_type = [jax.ShapeDtypeStruct((NCORES, NPAD, fpart), jnp.float32)]
  scratch = [
      pltpu.VMEM((NBLK, BLK), jnp.int32),
      pltpu.VMEM((NBLK, BLK), jnp.int32),
      [pltpu.VMEM((BLK, fpart), jnp.float32) for _ in range(nbuf)],
      pltpu.VMEM_SHARED((NPAD, fpart), jnp.float32),
      [pltpu.SemaphoreType.DMA for _ in range(nbuf)],
  ]
  if with_deg:
    out_type.append(jax.ShapeDtypeStruct((NCORES, NPAD), jnp.float32))
    scratch.append(pltpu.VMEM((BLK,), jnp.float32))
    scratch.append(pltpu.VMEM_SHARED((NPAD,), jnp.float32))

  def body(*refs):
    if with_deg:
      (x_hbm, src_hbm, dst_hbm, zrows_hbm, z1_hbm,
       acc_out, deg_out,
       src_v, dst_v, rows_v, acc_sh, gsem, ones_v, deg_sh) = refs
    else:
      (x_hbm, src_hbm, dst_hbm, zrows_hbm,
       acc_out,
       src_v, dst_v, rows_v, acc_sh, gsem) = refs

    c = lax.axis_index("c")
    s = lax.axis_index("s")
    z0 = s * ROWS_PER_TILE

    def gather(j, b):
      return pltpu.make_async_copy(x_hbm.at[c].at[src_v.at[j]],
                                   rows_v[b], gsem[b])

    pltpu.sync_copy(src_hbm.at[s], src_v)
    pltpu.sync_copy(dst_hbm.at[s], dst_v)
    for b in range(nbuf):
      gather(b, b).start()

    pltpu.sync_copy(zrows_hbm, acc_sh.at[pl.ds(z0, ROWS_PER_TILE)])
    if with_deg:
      pltpu.sync_copy(z1_hbm, deg_sh.at[pl.ds(z0, ROWS_PER_TILE)])
      for k in range(BLK // 16):
        ones_v[pl.ds(k * 16, 16)] = jnp.ones((16,), jnp.float32)
      do_deg = c == 0

    plsc.subcore_barrier()

    n_rounds = NBLK // nbuf

    def round_fn(g, carry):
      for b in range(nbuf):
        j = g * nbuf + b
        gather(j, b).wait()
        pltpu.sync_copy(rows_v[b], acc_sh.at[dst_v.at[j]], add=True)
        if with_deg:
          @pl.when(do_deg)
          def _():
            pltpu.sync_copy(ones_v, deg_sh.at[dst_v.at[j]], add=True)

        @pl.when(g + 1 < n_rounds)
        def _():
          gather(j + nbuf, b).start()
      return carry

    lax.fori_loop(0, n_rounds, round_fn, 0)

    plsc.subcore_barrier()
    pltpu.sync_copy(acc_sh.at[pl.ds(z0, ROWS_PER_TILE)],
                    acc_out.at[c, pl.ds(z0, ROWS_PER_TILE)])
    if with_deg:
      pltpu.sync_copy(deg_sh.at[pl.ds(z0, ROWS_PER_TILE)],
                      deg_out.at[c, pl.ds(z0, ROWS_PER_TILE)])

  return pl.kernel(body, out_type=tuple(out_type), mesh=mesh,
                   scratch_types=scratch,
                   compiler_params=pltpu.CompilerParams(
                       use_tc_tiling_on_sc=False))


def _tc_layer_body(split_in, pool, *refs):
  if split_in:
    x_ref, a_ref, d_ref, data_ref, w_ref, wt_ref, bt_ref, *rest = refs
    x = jnp.concatenate([x_ref[0], x_ref[1]], axis=1)
  else:
    a_ref, d_ref, data_ref, w_ref, wt_ref, bt_ref, *rest = refs
    x = data_ref[...]
  if pool:
    p_ref, o_ref = rest
  else:
    (o_ref,) = rest
  acc = jnp.concatenate([a_ref[0], a_ref[1]], axis=1)
  deg = d_ref[...]
  has = deg > 0.0
  scale = jnp.where(has, 1.0 / jnp.where(has, deg, 1.0), 0.0)
  lap = jnp.where(has, x, 0.0) - scale * acc
  h = jnp.dot(lap, w_ref[...], preferred_element_type=jnp.float32)
  h = h + jnp.dot(data_ref[...], wt_ref[...],
                  preferred_element_type=jnp.float32)
  h = jnp.maximum(h + bt_ref[...], 0.0)
  if pool:
    o_ref[...] = jnp.dot(h, p_ref[...], preferred_element_type=jnp.float32)
  else:
    half = h.shape[1] // 2
    o_ref[0] = h[:, :half]
    o_ref[1] = h[:, half:]


def _make_tc_layer(f_in, f_out, split_in, pool_cols=None):
  grid = (NPAD // TC_ROWS,)
  part = lambda f: pl.BlockSpec((NCORES, TC_ROWS, f // 2),
                                lambda i: (0, i, 0))
  full = lambda a, b: pl.BlockSpec((a, b), lambda i: (0, 0))
  in_specs = []
  if split_in:
    in_specs.append(part(f_in))
  in_specs += [
      part(f_in),
      pl.BlockSpec((TC_ROWS, 1), lambda i: (i, 0)),
      pl.BlockSpec((TC_ROWS, D_IN), lambda i: (i, 0)),
      full(f_in, f_out),
      full(D_IN, f_out),
      full(1, f_out),
  ]
  if pool_cols is not None:
    in_specs.append(full(f_out, pool_cols))
    out_spec = pl.BlockSpec((TC_ROWS, pool_cols), lambda i: (i, 0))
    out_shape = jax.ShapeDtypeStruct((NPAD, pool_cols), jnp.float32)
  else:
    out_spec = pl.BlockSpec((NCORES, TC_ROWS, f_out // 2),
                            lambda i: (0, i, 0))
    out_shape = jax.ShapeDtypeStruct((NCORES, NPAD, f_out // 2), jnp.float32)
  return pl.pallas_call(
      functools.partial(_tc_layer_body, split_in, pool_cols is not None),
      grid=grid,
      in_specs=in_specs,
      out_specs=out_spec,
      out_shape=out_shape,
  )


_tc_layer1 = _make_tc_layer(D_IN, F_MID, split_in=False)
_tc_layer2 = _make_tc_layer(F_MID, F_MID, split_in=True)
_tc_layer3 = _make_tc_layer(F_MID, F_WIDE, split_in=True, pool_cols=D_OUT)


def kernel(data, structure, pre_W, pre_b, pre_Wt, pre_bt,
           blk_Wg, blk_bg, blk_Wt, blk_bt,
           post_Wg, post_bg, post_Wt, post_bt):
  del pre_b, blk_bg, post_bg
  n_fake = E_PAD - N_EDGES
  fake = N_NODES + (jnp.arange(n_fake, dtype=jnp.int32)
                    % (NPAD - N_NODES))
  src = jnp.concatenate([structure[0], fake]).reshape(NSUB, NBLK, BLK)
  dst = jnp.concatenate([structure[1], fake]).reshape(NSUB, NBLK, BLK)
  x0 = jnp.zeros((NPAD, D_IN), jnp.float32).at[:N_NODES].set(data)
  x0_parts = x0.reshape(NPAD, NCORES, D_IN // 2).transpose(1, 0, 2)

  zrows_in = jnp.zeros((ROWS_PER_TILE, D_IN // 2), jnp.float32)
  zrows_mid = jnp.zeros((ROWS_PER_TILE, F_MID // 2), jnp.float32)
  z1 = jnp.zeros((ROWS_PER_TILE,), jnp.float32)

  w2 = jax.scipy.linalg.block_diag(*[blk_Wg[g] for g in range(WIDTH)])
  w3 = jax.scipy.linalg.block_diag(*[post_Wg[g] for g in range(WIDTH)])
  pool = ((jnp.arange(F_WIDE)[:, None] // WIDTH)
          == jnp.arange(D_OUT)[None, :]).astype(jnp.float32) / WIDTH

  acc1, deg = _make_sc_aggr(D_IN // 2, True, 4)(x0_parts, src, dst,
                                                zrows_in, z1)
  d0 = deg[0].reshape(NPAD, 1)

  out1 = _tc_layer1(acc1, d0, x0,
                    pre_W, pre_Wt, pre_bt.reshape(1, F_MID))

  (acc2,) = _make_sc_aggr(F_MID // 2, False, 2)(out1, src, dst, zrows_mid)
  out2 = _tc_layer2(out1, acc2, d0, x0,
                    w2, blk_Wt, blk_bt.reshape(1, F_MID))

  (acc3,) = _make_sc_aggr(F_MID // 2, False, 2)(out2, src, dst, zrows_mid)
  y = _tc_layer3(out2, acc3, d0, x0,
                 w3, post_Wt, post_bt.reshape(1, F_WIDE), pool)

  return y[:N_NODES].reshape(N_NODES, D_OUT, 1)

# --- scband reference (transcript-rebuilt; emitter-appended) ---
"""Pipeline reference for scband-arma-41360535061064 (READ-ONLY COPY).

The authoritative reference and input builder live on the scoring server;
editing this copy changes nothing except your own understanding.
"""

import jax, jax.numpy as jnp
import numpy as np

N, E, D_IN, HID, WIDTH, D_OUT = 10000, 320000, 128, 64, 3, 128


def _lap(x, src, dst, n):
    # normalized Laplacian action: for each edge (src,dst), message (x[dst]-x[src])/deg[dst], scatter-add to dst
    deg = jax.ops.segment_sum(jnp.ones(dst.shape[0], jnp.float32), dst, num_segments=n)
    factor = 1.0 / deg[dst]
    msg = (x[dst] - x[src]) * factor[:, None]
    return jax.ops.segment_sum(msg, dst, num_segments=n)


def setup_inputs(seed: int = 0):
    key = jax.random.key(seed)
    ks = jax.random.split(key, 16)
    data = jax.random.normal(ks[0], (N, D_IN), jnp.float32)
    structure = jax.random.randint(ks[1], (2, E), 0, N, dtype=jnp.int32)
    s = 0.05
    inp = {
        'data': data,
        'structure': structure,
        # preprocess ConvSkip(in=128, out=hid*width=192, merge=128)
        'pre_W': jax.random.normal(ks[2], (D_IN, HID * WIDTH), jnp.float32) * s,
        'pre_b': jnp.zeros((HID * WIDTH,), jnp.float32),
        'pre_Wt': jax.random.normal(ks[3], (D_IN, HID * WIDTH), jnp.float32) * s,
        'pre_bt': jnp.zeros((HID * WIDTH,), jnp.float32),
        # one WideConvSkip block (depth-2 = 1), grouped linear width=3
        'blk_Wg': jax.random.normal(ks[4], (WIDTH, HID, HID), jnp.float32) * s,
        'blk_bg': jnp.zeros((HID * WIDTH,), jnp.float32),
        'blk_Wt': jax.random.normal(ks[5], (D_IN, HID * WIDTH), jnp.float32) * s,
        'blk_bt': jnp.zeros((HID * WIDTH,), jnp.float32),
        # postprocess WideConvSkip(hid -> out)
        'post_Wg': jax.random.normal(ks[6], (WIDTH, HID, D_OUT), jnp.float32) * s,
        'post_bg': jnp.zeros((D_OUT * WIDTH,), jnp.float32),
        'post_Wt': jax.random.normal(ks[7], (D_IN, D_OUT * WIDTH), jnp.float32) * s,
        'post_bt': jnp.zeros((D_OUT * WIDTH,), jnp.float32),
    }
    return inp


def reference(data, structure, pre_W, pre_b, pre_Wt, pre_bt, blk_Wg, blk_bg, blk_Wt, blk_bt, post_Wg, post_bg, post_Wt, post_bt):
    src = structure[0]
    dst = structure[1]
    n = data.shape[0]

    # preprocess: ConvSkip -> relu(Lap(Linear(x)) + Transform(x))
    out = data @ pre_W + pre_b
    out = _lap(out, src, dst, n)
    out = jax.nn.relu(out + data @ pre_Wt + pre_bt)

    def wide(x, merge, Wg, bg, Wt, bt):
        w, gi, go = Wg.shape
        h = jnp.einsum('ngi,gio->ngo', x.reshape(n, w, gi), Wg).reshape(n, w * go) + bg
        h = _lap(h, src, dst, n)
        return jax.nn.relu(h + merge @ Wt + bt)

    out = wide(out, data, blk_Wg, blk_bg, blk_Wt, blk_bt)
    out = wide(out, data, post_Wg, post_bg, post_Wt, post_bt)
    out = out.reshape(n, -1, WIDTH)
    return jnp.mean(out, axis=2, keepdims=True)  # adaptive_avg_pool1d(out, 1)

if __name__ == "__main__":
    import jax
    _d = setup_inputs()
    print(jax.jit(kernel)(*tuple(_d.values())))

</pallas_src>

<mosaic_0001>
#map = affine_map<(d0, d1) -> (0, 0, 0)>
#map1 = affine_map<(d0, d1) -> (0, 0)>
module attributes {stable_mosaic.version = 14 : i64} {
  func.func @body(%arg0: i32, %arg1: i32, %arg2: memref<2x10240x96xf32, #tpu.memory_space<hbm>>, %arg3: memref<16x160x128xi32, #tpu.memory_space<hbm>>, %arg4: memref<16x160x128xi32, #tpu.memory_space<hbm>>, %arg5: memref<640x96xf32, #tpu.memory_space<hbm>>, %arg6: memref<2x10240x96xf32, #tpu.memory_space<hbm>>, %arg7: memref<160x128xi32, #tpu.memory_space<vmem>>, %arg8: memref<160x128xi32, #tpu.memory_space<vmem>>, %arg9: memref<128x96xf32, #tpu.memory_space<vmem>>, %arg10: memref<128x96xf32, #tpu.memory_space<vmem>>, %arg11: memref<10240x96xf32, #tpu.memory_space<vmem_shared>>, %arg12: memref<!tpu.dma_semaphore, #tpu.memory_space<semaphore_mem>>, %arg13: memref<!tpu.dma_semaphore, #tpu.memory_space<semaphore_mem>>) attributes {dimension_semantics = [#tpu.dimension_semantics<core_parallel>, #tpu.dimension_semantics<subcore_parallel>], iteration_bounds = array<i64: 2, 16>, scalar_prefetch = 0 : i64, scratch_operands = 7 : i64, tpu.core_type = #tpu.core_type<sc_vector_subcore>, window_params = [{transform_indices = #map}, {transform_indices = #map}, {transform_indices = #map}, {transform_indices = #map1}, {transform_indices = #map}]} {
    %mul3A = arith.constant 640 : i32
    %mul3A_0 = arith.muli %arg1, %mul3A : i32
    "tpu.region"() ({
      %run_scoped3A = tpu.sem_alloc : memref<!tpu.dma_semaphore, #tpu.memory_space<semaphore_mem>>
      %dma_start3A_28 = arith.constant 0 : i32
      %dma_start3A_29 = arith.constant 0 : i32
      %dma_start3A_30 = tpu.memref_slice %arg3[%arg1, %dma_start3A_28, %dma_start3A_29] : memref<16x160x128xi32, #tpu.memory_space<hbm>> -> memref<1x160x128xi32, #tpu.memory_space<hbm>>
      %dma_start3A_31 = tpu.memref_squeeze %dma_start3A_30 : memref<1x160x128xi32, #tpu.memory_space<hbm>> -> memref<160x128xi32, #tpu.memory_space<hbm>>
      %dma_start3A_32 = arith.constant 0 : i32
      %dma_start3A_33 = arith.constant 0 : i32
      %dma_start3A_34 = tpu.memref_slice %arg3[%arg1, %dma_start3A_32, %dma_start3A_33] : memref<16x160x128xi32, #tpu.memory_space<hbm>> -> memref<1x160x128xi32, #tpu.memory_space<hbm>>
      %dma_start3A_35 = tpu.memref_squeeze %dma_start3A_34 : memref<1x160x128xi32, #tpu.memory_space<hbm>> -> memref<160x128xi32, #tpu.memory_space<hbm>>
      tpu.enqueue_dma source(%dma_start3A_35 : memref<160x128xi32, #tpu.memory_space<hbm>>) target(%arg7 : memref<160x128xi32, #tpu.memory_space<vmem>>) target_semaphore(%run_scoped3A : memref<!tpu.dma_semaphore, #tpu.memory_space<semaphore_mem>>)
      %dma_wait3A = arith.constant 0 : i32
      %dma_wait3A_36 = arith.constant 0 : i32
      %dma_wait3A_37 = tpu.memref_slice %arg3[%arg1, %dma_wait3A, %dma_wait3A_36] : memref<16x160x128xi32, #tpu.memory_space<hbm>> -> memref<1x160x128xi32, #tpu.memory_space<hbm>>
      %dma_wait3A_38 = tpu.memref_squeeze %dma_wait3A_37 : memref<1x160x128xi32, #tpu.memory_space<hbm>> -> memref<160x128xi32, #tpu.memory_space<hbm>>
      %dma_wait3A_39 = arith.constant 0 : i32
      %dma_wait3A_40 = arith.constant 0 : i32
      %dma_wait3A_41 = tpu.memref_slice %arg3[%arg1, %dma_wait3A_39, %dma_wait3A_40] : memref<16x160x128xi32, #tpu.memory_space<hbm>> -> memref<1x160x128xi32, #tpu.memory_space<hbm>>
      %dma_wait3A_42 = tpu.memref_squeeze %dma_wait3A_41 : memref<1x160x128xi32, #tpu.memory_space<hbm>> -> memref<160x128xi32, #tpu.memory_space<hbm>>
      tpu.wait_dma2 semaphore(%run_scoped3A : memref<!tpu.dma_semaphore, #tpu.memory_space<semaphore_mem>>) src(%dma_wait3A_42 : memref<160x128xi32, #tpu.memory_space<hbm>>) dst(%arg7 : memref<160x128xi32, #tpu.memory_space<vmem>>)
      tpu.yield
    }) : () -> ()
    "tpu.region"() ({
      %run_scoped3A = tpu.sem_alloc : memref<!tpu.dma_semaphore, #tpu.memory_space<semaphore_mem>>
      %dma_start3A_28 = arith.constant 0 : i32
      %dma_start3A_29 = arith.constant 0 : i32
      %dma_start3A_30 = tpu.memref_slice %arg4[%arg1, %dma_start3A_28, %dma_start3A_29] : memref<16x160x128xi32, #tpu.memory_space<hbm>> -> memref<1x160x128xi32, #tpu.memory_space<hbm>>
      %dma_start3A_31 = tpu.memref_squeeze %dma_start3A_30 : memref<1x160x128xi32, #tpu.memory_space<hbm>> -> memref<160x128xi32, #tpu.memory_space<hbm>>
      %dma_start3A_32 = arith.constant 0 : i32
      %dma_start3A_33 = arith.constant 0 : i32
      %dma_start3A_34 = tpu.memref_slice %arg4[%arg1, %dma_start3A_32, %dma_start3A_33] : memref<16x160x128xi32, #tpu.memory_space<hbm>> -> memref<1x160x128xi32, #tpu.memory_space<hbm>>
      %dma_start3A_35 = tpu.memref_squeeze %dma_start3A_34 : memref<1x160x128xi32, #tpu.memory_space<hbm>> -> memref<160x128xi32, #tpu.memory_space<hbm>>
      tpu.enqueue_dma source(%dma_start3A_35 : memref<160x128xi32, #tpu.memory_space<hbm>>) target(%arg8 : memref<160x128xi32, #tpu.memory_space<vmem>>) target_semaphore(%run_scoped3A : memref<!tpu.dma_semaphore, #tpu.memory_space<semaphore_mem>>)
      %dma_wait3A = arith.constant 0 : i32
      %dma_wait3A_36 = arith.constant 0 : i32
      %dma_wait3A_37 = tpu.memref_slice %arg4[%arg1, %dma_wait3A, %dma_wait3A_36] : memref<16x160x128xi32, #tpu.memory_space<hbm>> -> memref<1x160x128xi32, #tpu.memory_space<hbm>>
      %dma_wait3A_38 = tpu.memref_squeeze %dma_wait3A_37 : memref<1x160x128xi32, #tpu.memory_space<hbm>> -> memref<160x128xi32, #tpu.memory_space<hbm>>
      %dma_wait3A_39 = arith.constant 0 : i32
      %dma_wait3A_40 = arith.constant 0 : i32
      %dma_wait3A_41 = tpu.memref_slice %arg4[%arg1, %dma_wait3A_39, %dma_wait3A_40] : memref<16x160x128xi32, #tpu.memory_space<hbm>> -> memref<1x160x128xi32, #tpu.memory_space<hbm>>
      %dma_wait3A_42 = tpu.memref_squeeze %dma_wait3A_41 : memref<1x160x128xi32, #tpu.memory_space<hbm>> -> memref<160x128xi32, #tpu.memory_space<hbm>>
      tpu.wait_dma2 semaphore(%run_scoped3A : memref<!tpu.dma_semaphore, #tpu.memory_space<semaphore_mem>>) src(%dma_wait3A_42 : memref<160x128xi32, #tpu.memory_space<hbm>>) dst(%arg8 : memref<160x128xi32, #tpu.memory_space<vmem>>)
      tpu.yield
    }) : () -> ()
    %dma_start3A = arith.constant 0 : i32
    %dma_start3A_1 = arith.constant 0 : i32
    %dma_start3A_2 = tpu.memref_slice %arg7[%dma_start3A, %dma_start3A_1] : memref<160x128xi32, #tpu.memory_space<vmem>> -> memref<1x128xi32, #tpu.memory_space<vmem>>
    %dma_start3A_3 = tpu.memref_squeeze %dma_start3A_2 : memref<1x128xi32, #tpu.memory_space<vmem>> -> memref<128xi32, #tpu.memory_space<vmem>>
    %dma_start3A_4 = arith.constant 0 : i32
    %dma_start3A_5 = arith.constant 0 : i32
    %dma_start3A_6 = tpu.memref_slice %arg2[%arg0, %dma_start3A_4, %dma_start3A_5] : memref<2x10240x96xf32, #tpu.memory_space<hbm>> -> memref<1x10240x96xf32, #tpu.memory_space<hbm>>
    %dma_start3A_7 = tpu.memref_squeeze %dma_start3A_6 : memref<1x10240x96xf32, #tpu.memory_space<hbm>> -> memref<10240x96xf32, #tpu.memory_space<hbm>>
    %dma_start3A_8 = arith.constant 0 : i32
    %dma_start3A_9 = arith.constant 0 : i32
    %dma_start3A_10 = tpu.memref_slice %dma_start3A_7[%dma_start3A_8, %dma_start3A_9] : memref<10240x96xf32, #tpu.memory_space<hbm>> -> memref<10240x96xf32, #tpu.memory_space<hbm>>
    tpu.enqueue_indirect_dma source(%dma_start3A_10 : memref<10240x96xf32, #tpu.memory_space<hbm>>) target(%arg9 : memref<128x96xf32, #tpu.memory_space<vmem>>) offsets(%dma_start3A_3 : memref<128xi32, #tpu.memory_space<vmem>>) semaphore(%arg12 : memref<!tpu.dma_semaphore, #tpu.memory_space<semaphore_mem>>)
    %dma_start3A_11 = arith.constant 1 : i32
    %dma_start3A_12 = arith.constant 0 : i32
    %dma_start3A_13 = tpu.memref_slice %arg7[%dma_start3A_11, %dma_start3A_12] : memref<160x128xi32, #tpu.memory_space<vmem>> -> memref<1x128xi32, #tpu.memory_space<vmem>>
    %dma_start3A_14 = tpu.memref_squeeze %dma_start3A_13 : memref<1x128xi32, #tpu.memory_space<vmem>> -> memref<128xi32, #tpu.memory_space<vmem>>
    %dma_start3A_15 = arith.constant 0 : i32
    %dma_start3A_16 = arith.constant 0 : i32
    %dma_start3A_17 = tpu.memref_slice %arg2[%arg0, %dma_start3A_15, %dma_start3A_16] : memref<2x10240x96xf32, #tpu.memory_space<hbm>> -> memref<1x10240x96xf32, #tpu.memory_space<hbm>>
    %dma_start3A_18 = tpu.memref_squeeze %dma_start3A_17 : memref<1x10240x96xf32, #tpu.memory_space<hbm>> -> memref<10240x96xf32, #tpu.memory_space<hbm>>
    %dma_start3A_19 = arith.constant 0 : i32
    %dma_start3A_20 = arith.constant 0 : i32
    %dma_start3A_21 = tpu.memref_slice %dma_start3A_18[%dma_start3A_19, %dma_start3A_20] : memref<10240x96xf32, #tpu.memory_space<hbm>> -> memref<10240x96xf32, #tpu.memory_space<hbm>>
    tpu.enqueue_indirect_dma source(%dma_start3A_21 : memref<10240x96xf32, #tpu.memory_space<hbm>>) target(%arg10 : memref<128x96xf32, #tpu.memory_space<vmem>>) offsets(%dma_start3A_14 : memref<128xi32, #tpu.memory_space<vmem>>) semaphore(%arg13 : memref<!tpu.dma_semaphore, #tpu.memory_space<semaphore_mem>>)
    "tpu.region"() ({
      %run_scoped3A = tpu.sem_alloc : memref<!tpu.dma_semaphore, #tpu.memory_space<semaphore_mem>>
      %dma_start3A_28 = arith.constant 0 : i32
      %dma_start3A_29 = tpu.memref_slice %arg11[%mul3A_0, %dma_start3A_28] : memref<10240x96xf32, #tpu.memory_space<vmem_shared>> -> memref<640x96xf32, #tpu.memory_space<vmem_shared>>
      tpu.enqueue_dma source(%arg5 : memref<640x96xf32, #tpu.memory_space<hbm>>) target(%dma_start3A_29 : memref<640x96xf32, #tpu.memory_space<vmem_shared>>) target_semaphore(%run_scoped3A : memref<!tpu.dma_semaphore, #tpu.memory_space<semaphore_mem>>)
      %dma_wait3A = arith.constant 0 : i32
      %dma_wait3A_30 = tpu.memref_slice %arg11[%mul3A_0, %dma_wait3A] : memref<10240x96xf32, #tpu.memory_space<vmem_shared>> -> memref<640x96xf32, #tpu.memory_space<vmem_shared>>
      tpu.wait_dma2 semaphore(%run_scoped3A : memref<!tpu.dma_semaphore, #tpu.memory_space<semaphore_mem>>) src(%arg5 : memref<640x96xf32, #tpu.memory_space<hbm>>) dst(%dma_wait3A_30 : memref<640x96xf32, #tpu.memory_space<vmem_shared>>)
      tpu.yield
    }) : () -> ()
    %barrier3A = arith.constant 0 : index
    tpu.barrier barrier_id(%barrier3A)
    %scan3A = arith.constant 0 : i32
    %scan3A_22 = arith.constant 0 : i32
    %scan3A_23 = arith.constant 80 : i32
    %scan3A_24 = arith.addi %scan3A_22, %scan3A_23 : i32
    %scan3A_25 = arith.constant 1 : i32
    scf.for %scan3A_28 = %scan3A_22 to %scan3A_24 step %scan3A_25  : i32 {
      %mul3A_29 = arith.constant 2 : i32
      %mul3A_30 = arith.muli %scan3A_28, %mul3A_29 : i32
      %add3A = arith.constant 0 : i32
      %add3A_31 = arith.addi %mul3A_30, %add3A : i32
      %dma_wait3A = arith.constant 0 : i32
      %dma_wait3A_32 = tpu.memref_slice %arg7[%add3A_31, %dma_wait3A] : memref<160x128xi32, #tpu.memory_space<vmem>> -> memref<1x128xi32, #tpu.memory_space<vmem>>
      %dma_wait3A_33 = tpu.memref_squeeze %dma_wait3A_32 : memref<1x128xi32, #tpu.memory_space<vmem>> -> memref<128xi32, #tpu.memory_space<vmem>>
      %dma_wait3A_34 = arith.constant 0 : i32
      %dma_wait3A_35 = arith.constant 0 : i32
      %dma_wait3A_36 = tpu.memref_slice %arg2[%arg0, %dma_wait3A_34, %dma_wait3A_35] : memref<2x10240x96xf32, #tpu.memory_space<hbm>> -> memref<1x10240x96xf32, #tpu.memory_space<hbm>>
      %dma_wait3A_37 = tpu.memref_squeeze %dma_wait3A_36 : memref<1x10240x96xf32, #tpu.memory_space<hbm>> -> memref<10240x96xf32, #tpu.memory_space<hbm>>
      %dma_wait3A_38 = arith.constant 0 : i32
      %dma_wait3A_39 = arith.constant 0 : i32
      %dma_wait3A_40 = tpu.memref_slice %dma_wait3A_37[%dma_wait3A_38, %dma_wait3A_39] : memref<10240x96xf32, #tpu.memory_space<hbm>> -> memref<10240x96xf32, #tpu.memory_space<hbm>>
      tpu.wait_indirect_dma semaphore(%arg12 : memref<!tpu.dma_semaphore, #tpu.memory_space<semaphore_mem>>) src(%dma_wait3A_40 : memref<10240x96xf32, #tpu.memory_space<hbm>>) dst(%arg9 : memref<128x96xf32, #tpu.memory_space<vmem>>)
      "tpu.region"() ({
        %run_scoped3A = tpu.sem_alloc : memref<!tpu.dma_semaphore, #tpu.memory_space<semaphore_mem>>
        %dma_start3A_66 = arith.constant 0 : i32
        %dma_start3A_67 = tpu.memref_slice %arg8[%add3A_31, %dma_start3A_66] : memref<160x128xi32, #tpu.memory_space<vmem>> -> memref<1x128xi32, #tpu.memory_space<vmem>>
        %dma_start3A_68 = tpu.memref_squeeze %dma_start3A_67 : memref<1x128xi32, #tpu.memory_space<vmem>> -> memref<128xi32, #tpu.memory_space<vmem>>
        %dma_start3A_69 = arith.constant 0 : i32
        %dma_start3A_70 = arith.constant 0 : i32
        %dma_start3A_71 = tpu.memref_slice %arg11[%dma_start3A_69, %dma_start3A_70] : memref<10240x96xf32, #tpu.memory_space<vmem_shared>> -> memref<10240x96xf32, #tpu.memory_space<vmem_shared>>
        tpu.enqueue_indirect_dma source(%arg9 : memref<128x96xf32, #tpu.memory_space<vmem>>) target(%dma_start3A_71 : memref<10240x96xf32, #tpu.memory_space<vmem_shared>>) offsets(%dma_start3A_68 : memref<128xi32, #tpu.memory_space<vmem>>) semaphore(%run_scoped3A : memref<!tpu.dma_semaphore, #tpu.memory_space<semaphore_mem>>) {add = true}
        %dma_wait3A_72 = arith.constant 0 : i32
        %dma_wait3A_73 = tpu.memref_slice %arg8[%add3A_31, %dma_wait3A_72] : memref<160x128xi32, #tpu.memory_space<vmem>> -> memref<1x128xi32, #tpu.memory_space<vmem>>
        %dma_wait3A_74 = tpu.memref_squeeze %dma_wait3A_73 : memref<1x128xi32, #tpu.memory_space<vmem>> -> memref<128xi32, #tpu.memory_space<vmem>>
        %dma_wait3A_75 = arith.constant 0 : i32
        %dma_wait3A_76 = arith.constant 0 : i32
        %dma_wait3A_77 = tpu.memref_slice %arg11[%dma_wait3A_75, %dma_wait3A_76] : memref<10240x96xf32, #tpu.memory_space<vmem_shared>> -> memref<10240x96xf32, #tpu.memory_space<vmem_shared>>
        tpu.wait_indirect_dma semaphore(%run_scoped3A : memref<!tpu.dma_semaphore, #tpu.memory_space<semaphore_mem>>) src(%arg9 : memref<128x96xf32, #tpu.memory_space<vmem>>) dst(%dma_wait3A_77 : memref<10240x96xf32, #tpu.memory_space<vmem_shared>>)
        tpu.yield
      }) : () -> ()
      %add3A_41 = arith.constant 1 : i32
      %add3A_42 = arith.addi %scan3A_28, %add3A_41 : i32
      %lt3A = arith.constant 80 : i32
      %lt3A_43 = arith.cmpi slt, %add3A_42, %lt3A : i32
      %convert_element_type3A = arith.extui %lt3A_43 : i1 to i32
      %cond3A = arith.constant 0 : i32
      %cond3A_44 = arith.cmpi ne, %convert_element_type3A, %cond3A : i32
      scf.if %cond3A_44 {
        %add3A_66 = arith.constant 2 : i32
        %add3A_67 = arith.addi %add3A_31, %add3A_66 : i32
        %dma_start3A_68 = arith.constant 0 : i32
        %dma_start3A_69 = tpu.memref_slice %arg7[%add3A_67, %dma_start3A_68] : memref<160x128xi32, #tpu.memory_space<vmem>> -> memref<1x128xi32, #tpu.memory_space<vmem>>
        %dma_start3A_70 = tpu.memref_squeeze %dma_start3A_69 : memref<1x128xi32, #tpu.memory_space<vmem>> -> memref<128xi32, #tpu.memory_space<vmem>>
        %dma_start3A_71 = arith.constant 0 : i32
        %dma_start3A_72 = arith.constant 0 : i32
        %dma_start3A_73 = tpu.memref_slice %arg2[%arg0, %dma_start3A_71, %dma_start3A_72] : memref<2x10240x96xf32, #tpu.memory_space<hbm>> -> memref<1x10240x96xf32, #tpu.memory_space<hbm>>
        %dma_start3A_74 = tpu.memref_squeeze %dma_start3A_73 : memref<1x10240x96xf32, #tpu.memory_space<hbm>> -> memref<10240x96xf32, #tpu.memory_space<hbm>>
        %dma_start3A_75 = arith.constant 0 : i32
        %dma_start3A_76 = arith.constant 0 : i32
        %dma_start3A_77 = tpu.memref_slice %dma_start3A_74[%dma_start3A_75, %dma_start3A_76] : memref<10240x96xf32, #tpu.memory_space<hbm>> -> memref<10240x96xf32, #tpu.memory_space<hbm>>
        tpu.enqueue_indirect_dma source(%dma_start3A_77 : memref<10240x96xf32, #tpu.memory_space<hbm>>) target(%arg9 : memref<128x96xf32, #tpu.memory_space<vmem>>) offsets(%dma_start3A_70 : memref<128xi32, #tpu.memory_space<vmem>>) semaphore(%arg12 : memref<!tpu.dma_semaphore, #tpu.memory_space<semaphore_mem>>)
      } else {
      }
      %mul3A_45 = arith.constant 2 : i32
      %mul3A_46 = arith.muli %scan3A_28, %mul3A_45 : i32
      %add3A_47 = arith.constant 1 : i32
      %add3A_48 = arith.addi %mul3A_46, %add3A_47 : i32
      %dma_wait3A_49 = arith.constant 0 : i32
      %dma_wait3A_50 = tpu.memref_slice %arg7[%add3A_48, %dma_wait3A_49] : memref<160x128xi32, #tpu.memory_space<vmem>> -> memref<1x128xi32, #tpu.memory_space<vmem>>
      %dma_wait3A_51 = tpu.memref_squeeze %dma_wait3A_50 : memref<1x128xi32, #tpu.memory_space<vmem>> -> memref<128xi32, #tpu.memory_space<vmem>>
      %dma_wait3A_52 = arith.constant 0 : i32
      %dma_wait3A_53 = arith.constant 0 : i32
      %dma_wait3A_54 = tpu.memref_slice %arg2[%arg0, %dma_wait3A_52, %dma_wait3A_53] : memref<2x10240x96xf32, #tpu.memory_space<hbm>> -> memref<1x10240x96xf32, #tpu.memory_space<hbm>>
      %dma_wait3A_55 = tpu.memref_squeeze %dma_wait3A_54 : memref<1x10240x96xf32, #tpu.memory_space<hbm>> -> memref<10240x96xf32, #tpu.memory_space<hbm>>
      %dma_wait3A_56 = arith.constant 0 : i32
      %dma_wait3A_57 = arith.constant 0 : i32
      %dma_wait3A_58 = tpu.memref_slice %dma_wait3A_55[%dma_wait3A_56, %dma_wait3A_57] : memref<10240x96xf32, #tpu.memory_space<hbm>> -> memref<10240x96xf32, #tpu.memory_space<hbm>>
      tpu.wait_indirect_dma semaphore(%arg13 : memref<!tpu.dma_semaphore, #tpu.memory_space<semaphore_mem>>) src(%dma_wait3A_58 : memref<10240x96xf32, #tpu.memory_space<hbm>>) dst(%arg10 : memref<128x96xf32, #tpu.memory_space<vmem>>)
      "tpu.region"() ({
        %run_scoped3A = tpu.sem_alloc : memref<!tpu.dma_semaphore, #tpu.memory_space<semaphore_mem>>
        %dma_start3A_66 = arith.constant 0 : i32
        %dma_start3A_67 = tpu.memref_slice %arg8[%add3A_48, %dma_start3A_66] : memref<160x128xi32, #tpu.memory_space<vmem>> -> memref<1x128xi32, #tpu.memory_space<vmem>>
        %dma_start3A_68 = tpu.memref_squeeze %dma_start3A_67 : memref<1x128xi32, #tpu.memory_space<vmem>> -> memref<128xi32, #tpu.memory_space<vmem>>
        %dma_start3A_69 = arith.constant 0 : i32
        %dma_start3A_70 = arith.constant 0 : i32
        %dma_start3A_71 = tpu.memref_slice %arg11[%dma_start3A_69, %dma_start3A_70] : memref<10240x96xf32, #tpu.memory_space<vmem_shared>> -> memref<10240x96xf32, #tpu.memory_space<vmem_shared>>
        tpu.enqueue_indirect_dma source(%arg10 : memref<128x96xf32, #tpu.memory_space<vmem>>) target(%dma_start3A_71 : memref<10240x96xf32, #tpu.memory_space<vmem_shared>>) offsets(%dma_start3A_68 : memref<128xi32, #tpu.memory_space<vmem>>) semaphore(%run_scoped3A : memref<!tpu.dma_semaphore, #tpu.memory_space<semaphore_mem>>) {add = true}
        %dma_wait3A_72 = arith.constant 0 : i32
        %dma_wait3A_73 = tpu.memref_slice %arg8[%add3A_48, %dma_wait3A_72] : memref<160x128xi32, #tpu.memory_space<vmem>> -> memref<1x128xi32, #tpu.memory_space<vmem>>
        %dma_wait3A_74 = tpu.memref_squeeze %dma_wait3A_73 : memref<1x128xi32, #tpu.memory_space<vmem>> -> memref<128xi32, #tpu.memory_space<vmem>>
        %dma_wait3A_75 = arith.constant 0 : i32
        %dma_wait3A_76 = arith.constant 0 : i32
        %dma_wait3A_77 = tpu.memref_slice %arg11[%dma_wait3A_75, %dma_wait3A_76] : memref<10240x96xf32, #tpu.memory_space<vmem_shared>> -> memref<10240x96xf32, #tpu.memory_space<vmem_shared>>
        tpu.wait_indirect_dma semaphore(%run_scoped3A : memref<!tpu.dma_semaphore, #tpu.memory_space<semaphore_mem>>) src(%arg10 : memref<128x96xf32, #tpu.memory_space<vmem>>) dst(%dma_wait3A_77 : memref<10240x96xf32, #tpu.memory_space<vmem_shared>>)
        tpu.yield
      }) : () -> ()
      %add3A_59 = arith.constant 1 : i32
      %add3A_60 = arith.addi %scan3A_28, %add3A_59 : i32
      %lt3A_61 = arith.constant 80 : i32
      %lt3A_62 = arith.cmpi slt, %add3A_60, %lt3A_61 : i32
      %convert_element_type3A_63 = arith.extui %lt3A_62 : i1 to i32
      %cond3A_64 = arith.constant 0 : i32
      %cond3A_65 = arith.cmpi ne, %convert_element_type3A_63, %cond3A_64 : i32
      scf.if %cond3A_65 {
        %add3A_66 = arith.constant 2 : i32
        %add3A_67 = arith.addi %add3A_48, %add3A_66 : i32
        %dma_start3A_68 = arith.constant 0 : i32
        %dma_start3A_69 = tpu.memref_slice %arg7[%add3A_67, %dma_start3A_68] : memref<160x128xi32, #tpu.memory_space<vmem>> -> memref<1x128xi32, #tpu.memory_space<vmem>>
        %dma_start3A_70 = tpu.memref_squeeze %dma_start3A_69 : memref<1x128xi32, #tpu.memory_space<vmem>> -> memref<128xi32, #tpu.memory_space<vmem>>
        %dma_start3A_71 = arith.constant 0 : i32
        %dma_start3A_72 = arith.constant 0 : i32
        %dma_start3A_73 = tpu.memref_slice %arg2[%arg0, %dma_start3A_71, %dma_start3A_72] : memref<2x10240x96xf32, #tpu.memory_space<hbm>> -> memref<1x10240x96xf32, #tpu.memory_space<hbm>>
        %dma_start3A_74 = tpu.memref_squeeze %dma_start3A_73 : memref<1x10240x96xf32, #tpu.memory_space<hbm>> -> memref<10240x96xf32, #tpu.memory_space<hbm>>
        %dma_start3A_75 = arith.constant 0 : i32
        %dma_start3A_76 = arith.constant 0 : i32
        %dma_start3A_77 = tpu.memref_slice %dma_start3A_74[%dma_start3A_75, %dma_start3A_76] : memref<10240x96xf32, #tpu.memory_space<hbm>> -> memref<10240x96xf32, #tpu.memory_space<hbm>>
        tpu.enqueue_indirect_dma source(%dma_start3A_77 : memref<10240x96xf32, #tpu.memory_space<hbm>>) target(%arg10 : memref<128x96xf32, #tpu.memory_space<vmem>>) offsets(%dma_start3A_70 : memref<128xi32, #tpu.memory_space<vmem>>) semaphore(%arg13 : memref<!tpu.dma_semaphore, #tpu.memory_space<semaphore_mem>>)
      } else {
      }
    }
    %scan3A_26 = arith.constant 80 : i32
    %barrier3A_27 = arith.constant 0 : index
    tpu.barrier barrier_id(%barrier3A_27)
    "tpu.region"() ({
      %run_scoped3A = tpu.sem_alloc : memref<!tpu.dma_semaphore, #tpu.memory_space<semaphore_mem>>
      %dma_start3A_28 = arith.constant 0 : i32
      %dma_start3A_29 = tpu.memref_slice %arg6[%arg0, %mul3A_0, %dma_start3A_28] : memref<2x10240x96xf32, #tpu.memory_space<hbm>> -> memref<1x640x96xf32, #tpu.memory_space<hbm>>
      %dma_start3A_30 = tpu.memref_squeeze %dma_start3A_29 : memref<1x640x96xf32, #tpu.memory_space<hbm>> -> memref<640x96xf32, #tpu.memory_space<hbm>>
      %dma_start3A_31 = arith.constant 0 : i32
      %dma_start3A_32 = tpu.memref_slice %arg11[%mul3A_0, %dma_start3A_31] : memref<10240x96xf32, #tpu.memory_space<vmem_shared>> -> memref<640x96xf32, #tpu.memory_space<vmem_shared>>
      tpu.enqueue_dma source(%dma_start3A_32 : memref<640x96xf32, #tpu.memory_space<vmem_shared>>) target(%dma_start3A_30 : memref<640x96xf32, #tpu.memory_space<hbm>>) target_semaphore(%run_scoped3A : memref<!tpu.dma_semaphore, #tpu.memory_space<semaphore_mem>>)
      %dma_wait3A = arith.constant 0 : i32
      %dma_wait3A_33 = tpu.memref_slice %arg6[%arg0, %mul3A_0, %dma_wait3A] : memref<2x10240x96xf32, #tpu.memory_space<hbm>> -> memref<1x640x96xf32, #tpu.memory_space<hbm>>
      %dma_wait3A_34 = tpu.memref_squeeze %dma_wait3A_33 : memref<1x640x96xf32, #tpu.memory_space<hbm>> -> memref<640x96xf32, #tpu.memory_space<hbm>>
      %dma_wait3A_35 = arith.constant 0 : i32
      %dma_wait3A_36 = tpu.memref_slice %arg11[%mul3A_0, %dma_wait3A_35] : memref<10240x96xf32, #tpu.memory_space<vmem_shared>> -> memref<640x96xf32, #tpu.memory_space<vmem_shared>>
      tpu.wait_dma2 semaphore(%run_scoped3A : memref<!tpu.dma_semaphore, #tpu.memory_space<semaphore_mem>>) src(%dma_wait3A_36 : memref<640x96xf32, #tpu.memory_space<vmem_shared>>) dst(%dma_wait3A_34 : memref<640x96xf32, #tpu.memory_space<hbm>>)
      tpu.yield
    }) : () -> ()
    return
  }
}

#map = affine_map<(d0, d1) -> (0, 0, 0)>
#map1 = affine_map<(d0, d1) -> (0, 0)>
#map2 = affine_map<(d0, d1) -> (0)>
module attributes {stable_mosaic.version = 14 : i64} {
  func.func @body(%arg0: i32, %arg1: i32, %arg2: memref<2x10240x64xf32, #tpu.memory_space<hbm>>, %arg3: memref<16x160x128xi32, #tpu.memory_space<hbm>>, %arg4: memref<16x160x128xi32, #tpu.memory_space<hbm>>, %arg5: memref<640x64xf32, #tpu.memory_space<hbm>>, %arg6: memref<640xf32, #tpu.memory_space<hbm>>, %arg7: memref<2x10240x64xf32, #tpu.memory_space<hbm>>, %arg8: memref<2x10240xf32, #tpu.memory_space<hbm>>, %arg9: memref<160x128xi32, #tpu.memory_space<vmem>>, %arg10: memref<160x128xi32, #tpu.memory_space<vmem>>, %arg11: memref<128x64xf32, #tpu.memory_space<vmem>>, %arg12: memref<128x64xf32, #tpu.memory_space<vmem>>, %arg13: memref<128x64xf32, #tpu.memory_space<vmem>>, %arg14: memref<128x64xf32, #tpu.memory_space<vmem>>, %arg15: memref<10240x64xf32, #tpu.memory_space<vmem_shared>>, %arg16: memref<!tpu.dma_semaphore, #tpu.memory_space<semaphore_mem>>, %arg17: memref<!tpu.dma_semaphore, #tpu.memory_space<semaphore_mem>>, %arg18: memref<!tpu.dma_semaphore, #tpu.memory_space<semaphore_mem>>, %arg19: memref<!tpu.dma_semaphore, #tpu.memory_space<semaphore_mem>>, %arg20: memref<128xf32, #tpu.memory_space<vmem>>, %arg21: memref<10240xf32, #tpu.memory_space<vmem_shared>>) attributes {dimension_semantics = [#tpu.dimension_semantics<core_parallel>, #tpu.dimension_semantics<subcore_parallel>], iteration_bounds = array<i64: 2, 16>, scalar_prefetch = 0 : i64, scratch_operands = 13 : i64, tpu.core_type = #tpu.core_type<sc_vector_subcore>, window_params = [{transform_indices = #map}, {transform_indices = #map}, {transform_indices = #map}, {transform_indices = #map1}, {transform_indices = #map2}, {transform_indices = #map}, {transform_indices = #map1}]} {
    %mul3A = arith.constant 640 : i32
    %mul3A_0 = arith.muli %arg1, %mul3A : i32
    "tpu.region"() ({
      %run_scoped3A = tpu.sem_alloc : memref<!tpu.dma_semaphore, #tpu.memory_space<semaphore_mem>>
      %dma_start3A_97 = arith.constant 0 : i32
      %dma_start3A_98 = arith.constant 0 : i32
      %dma_start3A_99 = tpu.memref_slice %arg3[%arg1, %dma_start3A_97, %dma_start3A_98] : memref<16x160x128xi32, #tpu.memory_space<hbm>> -> memref<1x160x128xi32, #tpu.memory_space<hbm>>
      %dma_start3A_100 = tpu.memref_squeeze %dma_start3A_99 : memref<1x160x128xi32, #tpu.memory_space<hbm>> -> memref<160x128xi32, #tpu.memory_space<hbm>>
      %dma_start3A_101 = arith.constant 0 : i32
      %dma_start3A_102 = arith.constant 0 : i32
      %dma_start3A_103 = tpu.memref_slice %arg3[%arg1, %dma_start3A_101, %dma_start3A_102] : memref<16x160x128xi32, #tpu.memory_space<hbm>> -> memref<1x160x128xi32, #tpu.memory_space<hbm>>
      %dma_start3A_104 = tpu.memref_squeeze %dma_start3A_103 : memref<1x160x128xi32, #tpu.memory_space<hbm>> -> memref<160x128xi32, #tpu.memory_space<hbm>>
      tpu.enqueue_dma source(%dma_start3A_104 : memref<160x128xi32, #tpu.memory_space<hbm>>) target(%arg9 : memref<160x128xi32, #tpu.memory_space<vmem>>) target_semaphore(%run_scoped3A : memref<!tpu.dma_semaphore, #tpu.memory_space<semaphore_mem>>)
      %dma_wait3A = arith.constant 0 : i32
      %dma_wait3A_105 = arith.constant 0 : i32
      %dma_wait3A_106 = tpu.memref_slice %arg3[%arg1, %dma_wait3A, %dma_wait3A_105] : memref<16x160x128xi32, #tpu.memory_space<hbm>> -> memref<1x160x128xi32, #tpu.memory_space<hbm>>
      %dma_wait3A_107 = tpu.memref_squeeze %dma_wait3A_106 : memref<1x160x128xi32, #tpu.memory_space<hbm>> -> memref<160x128xi32, #tpu.memory_space<hbm>>
      %dma_wait3A_108 = arith.constant 0 : i32
      %dma_wait3A_109 = arith.constant 0 : i32
      %dma_wait3A_110 = tpu.memref_slice %arg3[%arg1, %dma_wait3A_108, %dma_wait3A_109] : memref<16x160x128xi32, #tpu.memory_space<hbm>> -> memref<1x160x128xi32, #tpu.memory_space<hbm>>
      %dma_wait3A_111 = tpu.memref_squeeze %dma_wait3A_110 : memref<1x160x128xi32, #tpu.memory_space<hbm>> -> memref<160x128xi32, #tpu.memory_space<hbm>>
      tpu.wait_dma2 semaphore(%run_scoped3A : memref<!tpu.dma_semaphore, #tpu.memory_space<semaphore_mem>>) src(%dma_wait3A_111 : memref<160x128xi32, #tpu.memory_space<hbm>>) dst(%arg9 : memref<160x128xi32, #tpu.memory_space<vmem>>)
      tpu.yield
    }) : () -> ()
    "tpu.region"() ({
      %run_scoped3A = tpu.sem_alloc : memref<!tpu.dma_semaphore, #tpu.memory_space<semaphore_mem>>
      %dma_start3A_97 = arith.constant 0 : i32
      %dma_start3A_98 = arith.constant 0 : i32
      %dma_start3A_99 = tpu.memref_slice %arg4[%arg1, %dma_start3A_97, %dma_start3A_98] : memref<16x160x128xi32, #tpu.memory_space<hbm>> -> memref<1x160x128xi32, #tpu.memory_space<hbm>>
      %dma_start3A_100 = tpu.memref_squeeze %dma_start3A_99 : memref<1x160x128xi32, #tpu.memory_space<hbm>> -> memref<160x128xi32, #tpu.memory_space<hbm>>
      %dma_start3A_101 = arith.constant 0 : i32
      %dma_start3A_102 = arith.constant 0 : i32
      %dma_start3A_103 = tpu.memref_slice %arg4[%arg1, %dma_start3A_101, %dma_start3A_102] : memref<16x160x128xi32, #tpu.memory_space<hbm>> -> memref<1x160x128xi32, #tpu.memory_space<hbm>>
      %dma_start3A_104 = tpu.memref_squeeze %dma_start3A_103 : memref<1x160x128xi32, #tpu.memory_space<hbm>> -> memref<160x128xi32, #tpu.memory_space<hbm>>
      tpu.enqueue_dma source(%dma_start3A_104 : memref<160x128xi32, #tpu.memory_space<hbm>>) target(%arg10 : memref<160x128xi32, #tpu.memory_space<vmem>>) target_semaphore(%run_scoped3A : memref<!tpu.dma_semaphore, #tpu.memory_space<semaphore_mem>>)
      %dma_wait3A = arith.constant 0 : i32
      %dma_wait3A_105 = arith.constant 0 : i32
      %dma_wait3A_106 = tpu.memref_slice %arg4[%arg1, %dma_wait3A, %dma_wait3A_105] : memref<16x160x128xi32, #tpu.memory_space<hbm>> -> memref<1x160x128xi32, #tpu.memory_space<hbm>>
      %dma_wait3A_107 = tpu.memref_squeeze %dma_wait3A_106 : memref<1x160x128xi32, #tpu.memory_space<hbm>> -> memref<160x128xi32, #tpu.memory_space<hbm>>
      %dma_wait3A_108 = arith.constant 0 : i32
      %dma_wait3A_109 = arith.constant 0 : i32
      %dma_wait3A_110 = tpu.memref_slice %arg4[%arg1, %dma_wait3A_108, %dma_wait3A_109] : memref<16x160x128xi32, #tpu.memory_space<hbm>> -> memref<1x160x128xi32, #tpu.memory_space<hbm>>
      %dma_wait3A_111 = tpu.memref_squeeze %dma_wait3A_110 : memref<1x160x128xi32, #tpu.memory_space<hbm>> -> memref<160x128xi32, #tpu.memory_space<hbm>>
      tpu.wait_dma2 semaphore(%run_scoped3A : memref<!tpu.dma_semaphore, #tpu.memory_space<semaphore_mem>>) src(%dma_wait3A_111 : memref<160x128xi32, #tpu.memory_space<hbm>>) dst(%arg10 : memref<160x128xi32, #tpu.memory_space<vmem>>)
      tpu.yield
    }) : () -> ()
    %dma_start3A = arith.constant 0 : i32
    %dma_start3A_1 = arith.constant 0 : i32
    %dma_start3A_2 = tpu.memref_slice %arg9[%dma_start3A, %dma_start3A_1] : memref<160x128xi32, #tpu.memory_space<vmem>> -> memref<1x128xi32, #tpu.memory_space<vmem>>
    %dma_start3A_3 = tpu.memref_squeeze %dma_start3A_2 : memref<1x128xi32, #tpu.memory_space<vmem>> -> memref<128xi32, #tpu.memory_space<vmem>>
    %dma_start3A_4 = arith.constant 0 : i32
    %dma_start3A_5 = arith.constant 0 : i32
    %dma_start3A_6 = tpu.memref_slice %arg2[%arg0, %dma_start3A_4, %dma_start3A_5] : memref<2x10240x64xf32, #tpu.memory_space<hbm>> -> memref<1x10240x64xf32, #tpu.memory_space<hbm>>
    %dma_start3A_7 = tpu.memref_squeeze %dma_start3A_6 : memref<1x10240x64xf32, #tpu.memory_space<hbm>> -> memref<10240x64xf32, #tpu.memory_space<hbm>>
    %dma_start3A_8 = arith.constant 0 : i32
    %dma_start3A_9 = arith.constant 0 : i32
    %dma_start3A_10 = tpu.memref_slice %dma_start3A_7[%dma_start3A_8, %dma_start3A_9] : memref<10240x64xf32, #tpu.memory_space<hbm>> -> memref<10240x64xf32, #tpu.memory_space<hbm>>
    tpu.enqueue_indirect_dma source(%dma_start3A_10 : memref<10240x64xf32, #tpu.memory_space<hbm>>) target(%arg11 : memref<128x64xf32, #tpu.memory_space<vmem>>) offsets(%dma_start3A_3 : memref<128xi32, #tpu.memory_space<vmem>>) semaphore(%arg16 : memref<!tpu.dma_semaphore, #tpu.memory_space<semaphore_mem>>)
    %dma_start3A_11 = arith.constant 1 : i32
    %dma_start3A_12 = arith.constant 0 : i32
    %dma_start3A_13 = tpu.memref_slice %arg9[%dma_start3A_11, %dma_start3A_12] : memref<160x128xi32, #tpu.memory_space<vmem>> -> memref<1x128xi32, #tpu.memory_space<vmem>>
    %dma_start3A_14 = tpu.memref_squeeze %dma_start3A_13 : memref<1x128xi32, #tpu.memory_space<vmem>> -> memref<128xi32, #tpu.memory_space<vmem>>
    %dma_start3A_15 = arith.constant 0 : i32
    %dma_start3A_16 = arith.constant 0 : i32
    %dma_start3A_17 = tpu.memref_slice %arg2[%arg0, %dma_start3A_15, %dma_start3A_16] : memref<2x10240x64xf32, #tpu.memory_space<hbm>> -> memref<1x10240x64xf32, #tpu.memory_space<hbm>>
    %dma_start3A_18 = tpu.memref_squeeze %dma_start3A_17 : memref<1x10240x64xf32, #tpu.memory_space<hbm>> -> memref<10240x64xf32, #tpu.memory_space<hbm>>
    %dma_start3A_19 = arith.constant 0 : i32
    %dma_start3A_20 = arith.constant 0 : i32
    %dma_start3A_21 = tpu.memref_slice %dma_start3A_18[%dma_start3A_19, %dma_start3A_20] : memref<10240x64xf32, #tpu.memory_space<hbm>> -> memref<10240x64xf32, #tpu.memory_space<hbm>>
    tpu.enqueue_indirect_dma source(%dma_start3A_21 : memref<10240x64xf32, #tpu.memory_space<hbm>>) target(%arg12 : memref<128x64xf32, #tpu.memory_space<vmem>>) offsets(%dma_start3A_14 : memref<128xi32, #tpu.memory_space<vmem>>) semaphore(%arg17 : memref<!tpu.dma_semaphore, #tpu.memory_space<semaphore_mem>>)
    %dma_start3A_22 = arith.constant 2 : i32
    %dma_start3A_23 = arith.constant 0 : i32
    %dma_start3A_24 = tpu.memref_slice %arg9[%dma_start3A_22, %dma_start3A_23] : memref<160x128xi32, #tpu.memory_space<vmem>> -> memref<1x128xi32, #tpu.memory_space<vmem>>
    %dma_start3A_25 = tpu.memref_squeeze %dma_start3A_24 : memref<1x128xi32, #tpu.memory_space<vmem>> -> memref<128xi32, #tpu.memory_space<vmem>>
    %dma_start3A_26 = arith.constant 0 : i32
    %dma_start3A_27 = arith.constant 0 : i32
    %dma_start3A_28 = tpu.memref_slice %arg2[%arg0, %dma_start3A_26, %dma_start3A_27] : memref<2x10240x64xf32, #tpu.memory_space<hbm>> -> memref<1x10240x64xf32, #tpu.memory_space<hbm>>
    %dma_start3A_29 = tpu.memref_squeeze %dma_start3A_28 : memref<1x10240x64xf32, #tpu.memory_space<hbm>> -> memref<10240x64xf32, #tpu.memory_space<hbm>>
    %dma_start3A_30 = arith.constant 0 : i32
    %dma_start3A_31 = arith.constant 0 : i32
    %dma_start3A_32 = tpu.memref_slice %dma_start3A_29[%dma_start3A_30, %dma_start3A_31] : memref<10240x64xf32, #tpu.memory_space<hbm>> -> memref<10240x64xf32, #tpu.memory_space<hbm>>
    tpu.enqueue_indirect_dma source(%dma_start3A_32 : memref<10240x64xf32, #tpu.memory_space<hbm>>) target(%arg13 : memref<128x64xf32, #tpu.memory_space<vmem>>) offsets(%dma_start3A_25 : memref<128xi32, #tpu.memory_space<vmem>>) semaphore(%arg18 : memref<!tpu.dma_semaphore, #tpu.memory_space<semaphore_mem>>)
    %dma_start3A_33 = arith.constant 3 : i32
    %dma_start3A_34 = arith.constant 0 : i32
    %dma_start3A_35 = tpu.memref_slice %arg9[%dma_start3A_33, %dma_start3A_34] : memref<160x128xi32, #tpu.memory_space<vmem>> -> memref<1x128xi32, #tpu.memory_space<vmem>>
    %dma_start3A_36 = tpu.memref_squeeze %dma_start3A_35 : memref<1x128xi32, #tpu.memory_space<vmem>> -> memref<128xi32, #tpu.memory_space<vmem>>
    %dma_start3A_37 = arith.constant 0 : i32
    %dma_start3A_38 = arith.constant 0 : i32
    %dma_start3A_39 = tpu.memref_slice %arg2[%arg0, %dma_start3A_37, %dma_start3A_38] : memref<2x10240x64xf32, #tpu.memory_space<hbm>> -> memref<1x10240x64xf32, #tpu.memory_space<hbm>>
    %dma_start3A_40 = tpu.memref_squeeze %dma_start3A_39 : memref<1x10240x64xf32, #tpu.memory_space<hbm>> -> memref<10240x64xf32, #tpu.memory_space<hbm>>
    %dma_start3A_41 = arith.constant 0 : i32
    %dma_start3A_42 = arith.constant 0 : i32
    %dma_start3A_43 = tpu.memref_slice %dma_start3A_40[%dma_start3A_41, %dma_start3A_42] : memref<10240x64xf32, #tpu.memory_space<hbm>> -> memref<10240x64xf32, #tpu.memory_space<hbm>>
    tpu.enqueue_indirect_dma source(%dma_start3A_43 : memref<10240x64xf32, #tpu.memory_space<hbm>>) target(%arg14 : memref<128x64xf32, #tpu.memory_space<vmem>>) offsets(%dma_start3A_36 : memref<128xi32, #tpu.memory_space<vmem>>) semaphore(%arg19 : memref<!tpu.dma_semaphore, #tpu.memory_space<semaphore_mem>>)
    "tpu.region"() ({
      %run_scoped3A = tpu.sem_alloc : memref<!tpu.dma_semaphore, #tpu.memory_space<semaphore_mem>>
      %dma_start3A_97 = arith.constant 0 : i32
      %dma_start3A_98 = tpu.memref_slice %arg15[%mul3A_0, %dma_start3A_97] : memref<10240x64xf32, #tpu.memory_space<vmem_shared>> -> memref<640x64xf32, #tpu.memory_space<vmem_shared>>
      tpu.enqueue_dma source(%arg5 : memref<640x64xf32, #tpu.memory_space<hbm>>) target(%dma_start3A_98 : memref<640x64xf32, #tpu.memory_space<vmem_shared>>) target_semaphore(%run_scoped3A : memref<!tpu.dma_semaphore, #tpu.memory_space<semaphore_mem>>)
      %dma_wait3A = arith.constant 0 : i32
      %dma_wait3A_99 = tpu.memref_slice %arg15[%mul3A_0, %dma_wait3A] : memref<10240x64xf32, #tpu.memory_space<vmem_shared>> -> memref<640x64xf32, #tpu.memory_space<vmem_shared>>
      tpu.wait_dma2 semaphore(%run_scoped3A : memref<!tpu.dma_semaphore, #tpu.memory_space<semaphore_mem>>) src(%arg5 : memref<640x64xf32, #tpu.memory_space<hbm>>) dst(%dma_wait3A_99 : memref<640x64xf32, #tpu.memory_space<vmem_shared>>)
      tpu.yield
    }) : () -> ()
    "tpu.region"() ({
      %run_scoped3A = tpu.sem_alloc : memref<!tpu.dma_semaphore, #tpu.memory_space<semaphore_mem>>
      %dma_start3A_97 = tpu.memref_slice %arg21[%mul3A_0] : memref<10240xf32, #tpu.memory_space<vmem_shared>> -> memref<640xf32, #tpu.memory_space<vmem_shared>>
      tpu.enqueue_dma source(%arg6 : memref<640xf32, #tpu.memory_space<hbm>>) target(%dma_start3A_97 : memref<640xf32, #tpu.memory_space<vmem_shared>>) target_semaphore(%run_scoped3A : memref<!tpu.dma_semaphore, #tpu.memory_space<semaphore_mem>>)
      %dma_wait3A = tpu.memref_slice %arg21[%mul3A_0] : memref<10240xf32, #tpu.memory_space<vmem_shared>> -> memref<640xf32, #tpu.memory_space<vmem_shared>>
      tpu.wait_dma2 semaphore(%run_scoped3A : memref<!tpu.dma_semaphore, #tpu.memory_space<semaphore_mem>>) src(%arg6 : memref<640xf32, #tpu.memory_space<hbm>>) dst(%dma_wait3A : memref<640xf32, #tpu.memory_space<vmem_shared>>)
      tpu.yield
    }) : () -> ()
    %broadcast_in_dim3A = arith.constant 1.000000e+00 : f32
    %broadcast_in_dim3A_44 = vector.broadcast %broadcast_in_dim3A : f32 to vector<16xf32>
    %swap3A = arith.constant 0 : index
    %swap3A_45 = tpu.vector_load %arg20[%swap3A] {strides = array<i32>} : memref<128xf32, #tpu.memory_space<vmem>>, vector<16xf32>,
    %swap3A_46 = vector.shape_cast %swap3A_45 : vector<16xf32> to vector<16xf32>
    %swap3A_47 = vector.shape_cast %broadcast_in_dim3A_44 : vector<16xf32> to vector<16xf32>
    tpu.vector_store %arg20[%swap3A], %swap3A_47 {strides = array<i32>} : memref<128xf32, #tpu.memory_space<vmem>>, vector<16xf32>,
    %broadcast_in_dim3A_48 = arith.constant 1.000000e+00 : f32
    %broadcast_in_dim3A_49 = vector.broadcast %broadcast_in_dim3A_48 : f32 to vector<16xf32>
    %swap3A_50 = arith.constant 16 : index
    %swap3A_51 = tpu.vector_load %arg20[%swap3A_50] {strides = array<i32>} : memref<128xf32, #tpu.memory_space<vmem>>, vector<16xf32>,
    %swap3A_52 = vector.shape_cast %swap3A_51 : vector<16xf32> to vector<16xf32>
    %swap3A_53 = vector.shape_cast %broadcast_in_dim3A_49 : vector<16xf32> to vector<16xf32>
    tpu.vector_store %arg20[%swap3A_50], %swap3A_53 {strides = array<i32>} : memref<128xf32, #tpu.memory_space<vmem>>, vector<16xf32>,
    %broadcast_in_dim3A_54 = arith.constant 1.000000e+00 : f32
    %broadcast_in_dim3A_55 = vector.broadcast %broadcast_in_dim3A_54 : f32 to vector<16xf32>
    %swap3A_56 = arith.constant 32 : index
    %swap3A_57 = tpu.vector_load %arg20[%swap3A_56] {strides = array<i32>} : memref<128xf32, #tpu.memory_space<vmem>>, vector<16xf32>,
    %swap3A_58 = vector.shape_cast %swap3A_57 : vector<16xf32> to vector<16xf32>
    %swap3A_59 = vector.shape_cast %broadcast_in_dim3A_55 : vector<16xf32> to vector<16xf32>
    tpu.vector_store %arg20[%swap3A_56], %swap3A_59 {strides = array<i32>} : memref<128xf32, #tpu.memory_space<vmem>>, vector<16xf32>,
    %broadcast_in_dim3A_60 = arith.constant 1.000000e+00 : f32
    %broadcast_in_dim3A_61 = vector.broadcast %broadcast_in_dim3A_60 : f32 to vector<16xf32>
    %swap3A_62 = arith.constant 48 : index
    %swap3A_63 = tpu.vector_load %arg20[%swap3A_62] {strides = array<i32>} : memref<128xf32, #tpu.memory_space<vmem>>, vector<16xf32>,
    %swap3A_64 = vector.shape_cast %swap3A_63 : vector<16xf32> to vector<16xf32>
    %swap3A_65 = vector.shape_cast %broadcast_in_dim3A_61 : vector<16xf32> to vector<16xf32>
    tpu.vector_store %arg20[%swap3A_62], %swap3A_65 {strides = array<i32>} : memref<128xf32, #tpu.memory_space<vmem>>, vector<16xf32>,
    %broadcast_in_dim3A_66 = arith.constant 1.000000e+00 : f32
    %broadcast_in_dim3A_67 = vector.broadcast %broadcast_in_dim3A_66 : f32 to vector<16xf32>
    %swap3A_68 = arith.constant 64 : index
    %swap3A_69 = tpu.vector_load %arg20[%swap3A_68] {strides = array<i32>} : memref<128xf32, #tpu.memory_space<vmem>>, vector<16xf32>,
    %swap3A_70 = vector.shape_cast %swap3A_69 : vector<16xf32> to vector<16xf32>
    %swap3A_71 = vector.shape_cast %broadcast_in_dim3A_67 : vector<16xf32> to vector<16xf32>
    tpu.vector_store %arg20[%swap3A_68], %swap3A_71 {strides = array<i32>} : memref<128xf32, #tpu.memory_space<vmem>>, vector<16xf32>,
    %broadcast_in_dim3A_72 = arith.constant 1.000000e+00 : f32
    %broadcast_in_dim3A_73 = vector.broadcast %broadcast_in_dim3A_72 : f32 to vector<16xf32>
    %swap3A_74 = arith.constant 80 : index
    %swap3A_75 = tpu.vector_load %arg20[%swap3A_74] {strides = array<i32>} : memref<128xf32, #tpu.memory_space<vmem>>, vector<16xf32>,
    %swap3A_76 = vector.shape_cast %swap3A_75 : vector<16xf32> to vector<16xf32>
    %swap3A_77 = vector.shape_cast %broadcast_in_dim3A_73 : vector<16xf32> to vector<16xf32>
    tpu.vector_store %arg20[%swap3A_74], %swap3A_77 {strides = array<i32>} : memref<128xf32, #tpu.memory_space<vmem>>, vector<16xf32>,
    %broadcast_in_dim3A_78 = arith.constant 1.000000e+00 : f32
    %broadcast_in_dim3A_79 = vector.broadcast %broadcast_in_dim3A_78 : f32 to vector<16xf32>
    %swap3A_80 = arith.constant 96 : index
    %swap3A_81 = tpu.vector_load %arg20[%swap3A_80] {strides = array<i32>} : memref<128xf32, #tpu.memory_space<vmem>>, vector<16xf32>,
    %swap3A_82 = vector.shape_cast %swap3A_81 : vector<16xf32> to vector<16xf32>
    %swap3A_83 = vector.shape_cast %broadcast_in_dim3A_79 : vector<16xf32> to vector<16xf32>
    tpu.vector_store %arg20[%swap3A_80], %swap3A_83 {strides = array<i32>} : memref<128xf32, #tpu.memory_space<vmem>>, vector<16xf32>,
    %broadcast_in_dim3A_84 = arith.constant 1.000000e+00 : f32
    %broadcast_in_dim3A_85 = vector.broadcast %broadcast_in_dim3A_84 : f32 to vector<16xf32>
    %swap3A_86 = arith.constant 112 : index
    %swap3A_87 = tpu.vector_load %arg20[%swap3A_86] {strides = array<i32>} : memref<128xf32, #tpu.memory_space<vmem>>, vector<16xf32>,
    %swap3A_88 = vector.shape_cast %swap3A_87 : vector<16xf32> to vector<16xf32>
    %swap3A_89 = vector.shape_cast %broadcast_in_dim3A_85 : vector<16xf32> to vector<16xf32>
    tpu.vector_store %arg20[%swap3A_86], %swap3A_89 {strides = array<i32>} : memref<128xf32, #tpu.memory_space<vmem>>, vector<16xf32>,
    %eq3A = arith.constant 0 : i32
    %eq3A_90 = arith.cmpi eq, %arg0, %eq3A : i32
    %barrier3A = arith.constant 0 : index
    tpu.barrier barrier_id(%barrier3A)
    %scan3A = arith.constant 0 : i32
    %scan3A_91 = arith.constant 0 : i32
    %scan3A_92 = arith.constant 40 : i32
    %scan3A_93 = arith.addi %scan3A_91, %scan3A_92 : i32
    %scan3A_94 = arith.constant 1 : i32
    scf.for %scan3A_97 = %scan3A_91 to %scan3A_93 step %scan3A_94  : i32 {
      %mul3A_98 = arith.constant 4 : i32
      %mul3A_99 = arith.muli %scan3A_97, %mul3A_98 : i32
      %add3A = arith.constant 0 : i32
      %add3A_100 = arith.addi %mul3A_99, %add3A : i32
      %dma_wait3A = arith.constant 0 : i32
      %dma_wait3A_101 = tpu.memref_slice %arg9[%add3A_100, %dma_wait3A] : memref<160x128xi32, #tpu.memory_space<vmem>> -> memref<1x128xi32, #tpu.memory_space<vmem>>
      %dma_wait3A_102 = tpu.memref_squeeze %dma_wait3A_101 : memref<1x128xi32, #tpu.memory_space<vmem>> -> memref<128xi32, #tpu.memory_space<vmem>>
      %dma_wait3A_103 = arith.constant 0 : i32
      %dma_wait3A_104 = arith.constant 0 : i32
      %dma_wait3A_105 = tpu.memref_slice %arg2[%arg0, %dma_wait3A_103, %dma_wait3A_104] : memref<2x10240x64xf32, #tpu.memory_space<hbm>> -> memref<1x10240x64xf32, #tpu.memory_space<hbm>>
      %dma_wait3A_106 = tpu.memref_squeeze %dma_wait3A_105 : memref<1x10240x64xf32, #tpu.memory_space<hbm>> -> memref<10240x64xf32, #tpu.memory_space<hbm>>
      %dma_wait3A_107 = arith.constant 0 : i32
      %dma_wait3A_108 = arith.constant 0 : i32
      %dma_wait3A_109 = tpu.memref_slice %dma_wait3A_106[%dma_wait3A_107, %dma_wait3A_108] : memref<10240x64xf32, #tpu.memory_space<hbm>> -> memref<10240x64xf32, #tpu.memory_space<hbm>>
      tpu.wait_indirect_dma semaphore(%arg16 : memref<!tpu.dma_semaphore, #tpu.memory_space<semaphore_mem>>) src(%dma_wait3A_109 : memref<10240x64xf32, #tpu.memory_space<hbm>>) dst(%arg11 : memref<128x64xf32, #tpu.memory_space<vmem>>)
      "tpu.region"() ({
        %run_scoped3A = tpu.sem_alloc : memref<!tpu.dma_semaphore, #tpu.memory_space<semaphore_mem>>
        %dma_start3A_189 = arith.constant 0 : i32
        %dma_start3A_190 = tpu.memref_slice %arg10[%add3A_100, %dma_start3A_189] : memref<160x128xi32, #tpu.memory_space<vmem>> -> memref<1x128xi32, #tpu.memory_space<vmem>>
        %dma_start3A_191 = tpu.memref_squeeze %dma_start3A_190 : memref<1x128xi32, #tpu.memory_space<vmem>> -> memref<128xi32, #tpu.memory_space<vmem>>
        %dma_start3A_192 = arith.constant 0 : i32
        %dma_start3A_193 = arith.constant 0 : i32
        %dma_start3A_194 = tpu.memref_slice %arg15[%dma_start3A_192, %dma_start3A_193] : memref<10240x64xf32, #tpu.memory_space<vmem_shared>> -> memref<10240x64xf32, #tpu.memory_space<vmem_shared>>
        tpu.enqueue_indirect_dma source(%arg11 : memref<128x64xf32, #tpu.memory_space<vmem>>) target(%dma_start3A_194 : memref<10240x64xf32, #tpu.memory_space<vmem_shared>>) offsets(%dma_start3A_191 : memref<128xi32, #tpu.memory_space<vmem>>) semaphore(%run_scoped3A : memref<!tpu.dma_semaphore, #tpu.memory_space<semaphore_mem>>) {add = true}
        %dma_wait3A_195 = arith.constant 0 : i32
        %dma_wait3A_196 = tpu.memref_slice %arg10[%add3A_100, %dma_wait3A_195] : memref<160x128xi32, #tpu.memory_space<vmem>> -> memref<1x128xi32, #tpu.memory_space<vmem>>
        %dma_wait3A_197 = tpu.memref_squeeze %dma_wait3A_196 : memref<1x128xi32, #tpu.memory_space<vmem>> -> memref<128xi32, #tpu.memory_space<vmem>>
        %dma_wait3A_198 = arith.constant 0 : i32
        %dma_wait3A_199 = arith.constant 0 : i32
        %dma_wait3A_200 = tpu.memref_slice %arg15[%dma_wait3A_198, %dma_wait3A_199] : memref<10240x64xf32, #tpu.memory_space<vmem_shared>> -> memref<10240x64xf32, #tpu.memory_space<vmem_shared>>
        tpu.wait_indirect_dma semaphore(%run_scoped3A : memref<!tpu.dma_semaphore, #tpu.memory_space<semaphore_mem>>) src(%arg11 : memref<128x64xf32, #tpu.memory_space<vmem>>) dst(%dma_wait3A_200 : memref<10240x64xf32, #tpu.memory_space<vmem_shared>>)
        tpu.yield
      }) : () -> ()
      %convert_element_type3A = arith.extui %eq3A_90 : i1 to i32
      %cond3A = arith.constant 0 : i32
      %cond3A_110 = arith.cmpi ne, %convert_element_type3A, %cond3A : i32
      scf.if %cond3A_110 {
        "tpu.region"() ({
          %run_scoped3A = tpu.sem_alloc : memref<!tpu.dma_semaphore, #tpu.memory_space<semaphore_mem>>
          %dma_start3A_189 = arith.constant 0 : i32
          %dma_start3A_190 = tpu.memref_slice %arg10[%add3A_100, %dma_start3A_189] : memref<160x128xi32, #tpu.memory_space<vmem>> -> memref<1x128xi32, #tpu.memory_space<vmem>>
          %dma_start3A_191 = tpu.memref_squeeze %dma_start3A_190 : memref<1x128xi32, #tpu.memory_space<vmem>> -> memref<128xi32, #tpu.memory_space<vmem>>
          %dma_start3A_192 = arith.constant 0 : i32
          %dma_start3A_193 = tpu.memref_slice %arg21[%dma_start3A_192] : memref<10240xf32, #tpu.memory_space<vmem_shared>> -> memref<10240xf32, #tpu.memory_space<vmem_shared>>
          tpu.enqueue_indirect_dma source(%arg20 : memref<128xf32, #tpu.memory_space<vmem>>) target(%dma_start3A_193 : memref<10240xf32, #tpu.memory_space<vmem_shared>>) offsets(%dma_start3A_191 : memref<128xi32, #tpu.memory_space<vmem>>) semaphore(%run_scoped3A : memref<!tpu.dma_semaphore, #tpu.memory_space<semaphore_mem>>) {add = true}
          %dma_wait3A_194 = arith.constant 0 : i32
          %dma_wait3A_195 = tpu.memref_slice %arg10[%add3A_100, %dma_wait3A_194] : memref<160x128xi32, #tpu.memory_space<vmem>> -> memref<1x128xi32, #tpu.memory_space<vmem>>
          %dma_wait3A_196 = tpu.memref_squeeze %dma_wait3A_195 : memref<1x128xi32, #tpu.memory_space<vmem>> -> memref<128xi32, #tpu.memory_space<vmem>>
          %dma_wait3A_197 = arith.constant 0 : i32
          %dma_wait3A_198 = tpu.memref_slice %arg21[%dma_wait3A_197] : memref<10240xf32, #tpu.memory_space<vmem_shared>> -> memref<10240xf32, #tpu.memory_space<vmem_shared>>
          tpu.wait_indirect_dma semaphore(%run_scoped3A : memref<!tpu.dma_semaphore, #tpu.memory_space<semaphore_mem>>) src(%arg20 : memref<128xf32, #tpu.memory_space<vmem>>) dst(%dma_wait3A_198 : memref<10240xf32, #tpu.memory_space<vmem_shared>>)
          tpu.yield
        }) : () -> ()
      } else {
      }
      %add3A_111 = arith.constant 1 : i32
      %add3A_112 = arith.addi %scan3A_97, %add3A_111 : i32
      %lt3A = arith.constant 40 : i32
      %lt3A_113 = arith.cmpi slt, %add3A_112, %lt3A : i32
      %convert_element_type3A_114 = arith.extui %lt3A_113 : i1 to i32
      %cond3A_115 = arith.constant 0 : i32
      %cond3A_116 = arith.cmpi ne, %convert_element_type3A_114, %cond3A_115 : i32
      scf.if %cond3A_116 {
        %add3A_189 = arith.constant 4 : i32
        %add3A_190 = arith.addi %add3A_100, %add3A_189 : i32
        %dma_start3A_191 = arith.constant 0 : i32
        %dma_start3A_192 = tpu.memref_slice %arg9[%add3A_190, %dma_start3A_191] : memref<160x128xi32, #tpu.memory_space<vmem>> -> memref<1x128xi32, #tpu.memory_space<vmem>>
        %dma_start3A_193 = tpu.memref_squeeze %dma_start3A_192 : memref<1x128xi32, #tpu.memory_space<vmem>> -> memref<128xi32, #tpu.memory_space<vmem>>
        %dma_start3A_194 = arith.constant 0 : i32
        %dma_start3A_195 = arith.constant 0 : i32
        %dma_start3A_196 = tpu.memref_slice %arg2[%arg0, %dma_start3A_194, %dma_start3A_195] : memref<2x10240x64xf32, #tpu.memory_space<hbm>> -> memref<1x10240x64xf32, #tpu.memory_space<hbm>>
        %dma_start3A_197 = tpu.memref_squeeze %dma_start3A_196 : memref<1x10240x64xf32, #tpu.memory_space<hbm>> -> memref<10240x64xf32, #tpu.memory_space<hbm>>
        %dma_start3A_198 = arith.constant 0 : i32
        %dma_start3A_199 = arith.constant 0 : i32
        %dma_start3A_200 = tpu.memref_slice %dma_start3A_197[%dma_start3A_198, %dma_start3A_199] : memref<10240x64xf32, #tpu.memory_space<hbm>> -> memref<10240x64xf32, #tpu.memory_space<hbm>>
        tpu.enqueue_indirect_dma source(%dma_start3A_200 : memref<10240x64xf32, #tpu.memory_space<hbm>>) target(%arg11 : memref<128x64xf32, #tpu.memory_space<vmem>>) offsets(%dma_start3A_193 : memref<128xi32, #tpu.memory_space<vmem>>) semaphore(%arg16 : memref<!tpu.dma_semaphore, #tpu.memory_space<semaphore_mem>>)
      } else {
      }
      %mul3A_117 = arith.constant 4 : i32
      %mul3A_118 = arith.muli %scan3A_97, %mul3A_117 : i32
      %add3A_119 = arith.constant 1 : i32
      %add3A_120 = arith.addi %mul3A_118, %add3A_119 : i32
      %dma_wait3A_121 = arith.constant 0 : i32
      %dma_wait3A_122 = tpu.memref_slice %arg9[%add3A_120, %dma_wait3A_121] : memref<160x128xi32, #tpu.memory_space<vmem>> -> memref<1x128xi32, #tpu.memory_space<vmem>>
      %dma_wait3A_123 = tpu.memref_squeeze %dma_wait3A_122 : memref<1x128xi32, #tpu.memory_space<vmem>> -> memref<128xi32, #tpu.memory_space<vmem>>
      %dma_wait3A_124 = arith.constant 0 : i32
      %dma_wait3A_125 = arith.constant 0 : i32
      %dma_wait3A_126 = tpu.memref_slice %arg2[%arg0, %dma_wait3A_124, %dma_wait3A_125] : memref<2x10240x64xf32, #tpu.memory_space<hbm>> -> memref<1x10240x64xf32, #tpu.memory_space<hbm>>
      %dma_wait3A_127 = tpu.memref_squeeze %dma_wait3A_126 : memref<1x10240x64xf32, #tpu.memory_space<hbm>> -> memref<10240x64xf32, #tpu.memory_space<hbm>>
      %dma_wait3A_128 = arith.constant 0 : i32
      %dma_wait3A_129 = arith.constant 0 : i32
      %dma_wait3A_130 = tpu.memref_slice %dma_wait3A_127[%dma_wait3A_128, %dma_wait3A_129] : memref<10240x64xf32, #tpu.memory_space<hbm>> -> memref<10240x64xf32, #tpu.memory_space<hbm>>
      tpu.wait_indirect_dma semaphore(%arg17 : memref<!tpu.dma_semaphore, #tpu.memory_space<semaphore_mem>>) src(%dma_wait3A_130 : memref<10240x64xf32, #tpu.memory_space<hbm>>) dst(%arg12 : memref<128x64xf32, #tpu.memory_space<vmem>>)
      "tpu.region"() ({
        %run_scoped3A = tpu.sem_alloc : memref<!tpu.dma_semaphore, #tpu.memory_space<semaphore_mem>>
        %dma_start3A_189 = arith.constant 0 : i32
        %dma_start3A_190 = tpu.memref_slice %arg10[%add3A_120, %dma_start3A_189] : memref<160x128xi32, #tpu.memory_space<vmem>> -> memref<1x128xi32, #tpu.memory_space<vmem>>
        %dma_start3A_191 = tpu.memref_squeeze %dma_start3A_190 : memref<1x128xi32, #tpu.memory_space<vmem>> -> memref<128xi32, #tpu.memory_space<vmem>>
        %dma_start3A_192 = arith.constant 0 : i32
        %dma_start3A_193 = arith.constant 0 : i32
        %dma_start3A_194 = tpu.memref_slice %arg15[%dma_start3A_192, %dma_start3A_193] : memref<10240x64xf32, #tpu.memory_space<vmem_shared>> -> memref<10240x64xf32, #tpu.memory_space<vmem_shared>>
        tpu.enqueue_indirect_dma source(%arg12 : memref<128x64xf32, #tpu.memory_space<vmem>>) target(%dma_start3A_194 : memref<10240x64xf32, #tpu.memory_space<vmem_shared>>) offsets(%dma_start3A_191 : memref<128xi32, #tpu.memory_space<vmem>>) semaphore(%run_scoped3A : memref<!tpu.dma_semaphore, #tpu.memory_space<semaphore_mem>>) {add = true}
        %dma_wait3A_195 = arith.constant 0 : i32
        %dma_wait3A_196 = tpu.memref_slice %arg10[%add3A_120, %dma_wait3A_195] : memref<160x128xi32, #tpu.memory_space<vmem>> -> memref<1x128xi32, #tpu.memory_space<vmem>>
        %dma_wait3A_197 = tpu.memref_squeeze %dma_wait3A_196 : memref<1x128xi32, #tpu.memory_space<vmem>> -> memref<128xi32, #tpu.memory_space<vmem>>
        %dma_wait3A_198 = arith.constant 0 : i32
        %dma_wait3A_199 = arith.constant 0 : i32
        %dma_wait3A_200 = tpu.memref_slice %arg15[%dma_wait3A_198, %dma_wait3A_199] : memref<10240x64xf32, #tpu.memory_space<vmem_shared>> -> memref<10240x64xf32, #tpu.memory_space<vmem_shared>>
        tpu.wait_indirect_dma semaphore(%run_scoped3A : memref<!tpu.dma_semaphore, #tpu.memory_space<semaphore_mem>>) src(%arg12 : memref<128x64xf32, #tpu.memory_space<vmem>>) dst(%dma_wait3A_200 : memref<10240x64xf32, #tpu.memory_space<vmem_shared>>)
        tpu.yield
      }) : () -> ()
      %convert_element_type3A_131 = arith.extui %eq3A_90 : i1 to i32
      %cond3A_132 = arith.constant 0 : i32
      %cond3A_133 = arith.cmpi ne, %convert_element_type3A_131, %cond3A_132 : i32
      scf.if %cond3A_133 {
        "tpu.region"() ({
          %run_scoped3A = tpu.sem_alloc : memref<!tpu.dma_semaphore, #tpu.memory_space<semaphore_mem>>
          %dma_start3A_189 = arith.constant 0 : i32
          %dma_start3A_190 = tpu.memref_slice %arg10[%add3A_120, %dma_start3A_189] : memref<160x128xi32, #tpu.memory_space<vmem>> -> memref<1x128xi32, #tpu.memory_space<vmem>>
          %dma_start3A_191 = tpu.memref_squeeze %dma_start3A_190 : memref<1x128xi32, #tpu.memory_space<vmem>> -> memref<128xi32, #tpu.memory_space<vmem>>
          %dma_start3A_192 = arith.constant 0 : i32
          %dma_start3A_193 = tpu.memref_slice %arg21[%dma_start3A_192] : memref<10240xf32, #tpu.memory_space<vmem_shared>> -> memref<10240xf32, #tpu.memory_space<vmem_shared>>
          tpu.enqueue_indirect_dma source(%arg20 : memref<128xf32, #tpu.memory_space<vmem>>) target(%dma_start3A_193 : memref<10240xf32, #tpu.memory_space<vmem_shared>>) offsets(%dma_start3A_191 : memref<128xi32, #tpu.memory_space<vmem>>) semaphore(%run_scoped3A : memref<!tpu.dma_semaphore, #tpu.memory_space<semaphore_mem>>) {add = true}
          %dma_wait3A_194 = arith.constant 0 : i32
          %dma_wait3A_195 = tpu.memref_slice %arg10[%add3A_120, %dma_wait3A_194] : memref<160x128xi32, #tpu.memory_space<vmem>> -> memref<1x128xi32, #tpu.memory_space<vmem>>
          %dma_wait3A_196 = tpu.memref_squeeze %dma_wait3A_195 : memref<1x128xi32, #tpu.memory_space<vmem>> -> memref<128xi32, #tpu.memory_space<vmem>>
          %dma_wait3A_197 = arith.constant 0 : i32
          %dma_wait3A_198 = tpu.memref_slice %arg21[%dma_wait3A_197] : memref<10240xf32, #tpu.memory_space<vmem_shared>> -> memref<10240xf32, #tpu.memory_space<vmem_shared>>
          tpu.wait_indirect_dma semaphore(%run_scoped3A : memref<!tpu.dma_semaphore, #tpu.memory_space<semaphore_mem>>) src(%arg20 : memref<128xf32, #tpu.memory_space<vmem>>) dst(%dma_wait3A_198 : memref<10240xf32, #tpu.memory_space<vmem_shared>>)
          tpu.yield
        }) : () -> ()
      } else {
      }
      %add3A_134 = arith.constant 1 : i32
      %add3A_135 = arith.addi %scan3A_97, %add3A_134 : i32
      %lt3A_136 = arith.constant 40 : i32
      %lt3A_137 = arith.cmpi slt, %add3A_135, %lt3A_136 : i32
      %convert_element_type3A_138 = arith.extui %lt3A_137 : i1 to i32
      %cond3A_139 = arith.constant 0 : i32
      %cond3A_140 = arith.cmpi ne, %convert_element_type3A_138, %cond3A_139 : i32
      scf.if %cond3A_140 {
        %add3A_189 = arith.constant 4 : i32
        %add3A_190 = arith.addi %add3A_120, %add3A_189 : i32
        %dma_start3A_191 = arith.constant 0 : i32
        %dma_start3A_192 = tpu.memref_slice %arg9[%add3A_190, %dma_start3A_191] : memref<160x128xi32, #tpu.memory_space<vmem>> -> memref<1x128xi32, #tpu.memory_space<vmem>>
        %dma_start3A_193 = tpu.memref_squeeze %dma_start3A_192 : memref<1x128xi32, #tpu.memory_space<vmem>> -> memref<128xi32, #tpu.memory_space<vmem>>
        %dma_start3A_194 = arith.constant 0 : i32
        %dma_start3A_195 = arith.constant 0 : i32
        %dma_start3A_196 = tpu.memref_slice %arg2[%arg0, %dma_start3A_194, %dma_start3A_195] : memref<2x10240x64xf32, #tpu.memory_space<hbm>> -> memref<1x10240x64xf32, #tpu.memory_space<hbm>>
        %dma_start3A_197 = tpu.memref_squeeze %dma_start3A_196 : memref<1x10240x64xf32, #tpu.memory_space<hbm>> -> memref<10240x64xf32, #tpu.memory_space<hbm>>
        %dma_start3A_198 = arith.constant 0 : i32
        %dma_start3A_199 = arith.constant 0 : i32
        %dma_start3A_200 = tpu.memref_slice %dma_start3A_197[%dma_start3A_198, %dma_start3A_199] : memref<10240x64xf32, #tpu.memory_space<hbm>> -> memref<10240x64xf32, #tpu.memory_space<hbm>>
        tpu.enqueue_indirect_dma source(%dma_start3A_200 : memref<10240x64xf32, #tpu.memory_space<hbm>>) target(%arg12 : memref<128x64xf32, #tpu.memory_space<vmem>>) offsets(%dma_start3A_193 : memref<128xi32, #tpu.memory_space<vmem>>) semaphore(%arg17 : memref<!tpu.dma_semaphore, #tpu.memory_space<semaphore_mem>>)
      } else {
      }
      %mul3A_141 = arith.constant 4 : i32
      %mul3A_142 = arith.muli %scan3A_97, %mul3A_141 : i32
      %add3A_143 = arith.constant 2 : i32
      %add3A_144 = arith.addi %mul3A_142, %add3A_143 : i32
      %dma_wait3A_145 = arith.constant 0 : i32
      %dma_wait3A_146 = tpu.memref_slice %arg9[%add3A_144, %dma_wait3A_145] : memref<160x128xi32, #tpu.memory_space<vmem>> -> memref<1x128xi32, #tpu.memory_space<vmem>>
      %dma_wait3A_147 = tpu.memref_squeeze %dma_wait3A_146 : memref<1x128xi32, #tpu.memory_space<vmem>> -> memref<128xi32, #tpu.memory_space<vmem>>
      %dma_wait3A_148 = arith.constant 0 : i32
      %dma_wait3A_149 = arith.constant 0 : i32
      %dma_wait3A_150 = tpu.memref_slice %arg2[%arg0, %dma_wait3A_148, %dma_wait3A_149] : memref<2x10240x64xf32, #tpu.memory_space<hbm>> -> memref<1x10240x64xf32, #tpu.memory_space<hbm>>
      %dma_wait3A_151 = tpu.memref_squeeze %dma_wait3A_150 : memref<1x10240x64xf32, #tpu.memory_space<hbm>> -> memref<10240x64xf32, #tpu.memory_space<hbm>>
      %dma_wait3A_152 = arith.constant 0 : i32
      %dma_wait3A_153 = arith.constant 0 : i32
      %dma_wait3A_154 = tpu.memref_slice %dma_wait3A_151[%dma_wait3A_152, %dma_wait3A_153] : memref<10240x64xf32, #tpu.memory_space<hbm>> -> memref<10240x64xf32, #tpu.memory_space<hbm>>
      tpu.wait_indirect_dma semaphore(%arg18 : memref<!tpu.dma_semaphore, #tpu.memory_space<semaphore_mem>>) src(%dma_wait3A_154 : memref<10240x64xf32, #tpu.memory_space<hbm>>) dst(%arg13 : memref<128x64xf32, #tpu.memory_space<vmem>>)
      "tpu.region"() ({
        %run_scoped3A = tpu.sem_alloc : memref<!tpu.dma_semaphore, #tpu.memory_space<semaphore_mem>>
        %dma_start3A_189 = arith.constant 0 : i32
        %dma_start3A_190 = tpu.memref_slice %arg10[%add3A_144, %dma_start3A_189] : memref<160x128xi32, #tpu.memory_space<vmem>> -> memref<1x128xi32, #tpu.memory_space<vmem>>
        %dma_start3A_191 = tpu.memref_squeeze %dma_start3A_190 : memref<1x128xi32, #tpu.memory_space<vmem>> -> memref<128xi32, #tpu.memory_space<vmem>>
        %dma_start3A_192 = arith.constant 0 : i32
        %dma_start3A_193 = arith.constant 0 : i32
        %dma_start3A_194 = tpu.memref_slice %arg15[%dma_start3A_192, %dma_start3A_193] : memref<10240x64xf32, #tpu.memory_space<vmem_shared>> -> memref<10240x64xf32, #tpu.memory_space<vmem_shared>>
        tpu.enqueue_indirect_dma source(%arg13 : memref<128x64xf32, #tpu.memory_space<vmem>>) target(%dma_start3A_194 : memref<10240x64xf32, #tpu.memory_space<vmem_shared>>) offsets(%dma_start3A_191 : memref<128xi32, #tpu.memory_space<vmem>>) semaphore(%run_scoped3A : memref<!tpu.dma_semaphore, #tpu.memory_space<semaphore_mem>>) {add = true}
        %dma_wait3A_195 = arith.constant 0 : i32
        %dma_wait3A_196 = tpu.memref_slice %arg10[%add3A_144, %dma_wait3A_195] : memref<160x128xi32, #tpu.memory_space<vmem>> -> memref<1x128xi32, #tpu.memory_space<vmem>>
        %dma_wait3A_197 = tpu.memref_squeeze %dma_wait3A_196 : memref<1x128xi32, #tpu.memory_space<vmem>> -> memref<128xi32, #tpu.memory_space<vmem>>
        %dma_wait3A_198 = arith.constant 0 : i32
        %dma_wait3A_199 = arith.constant 0 : i32
        %dma_wait3A_200 = tpu.memref_slice %arg15[%dma_wait3A_198, %dma_wait3A_199] : memref<10240x64xf32, #tpu.memory_space<vmem_shared>> -> memref<10240x64xf32, #tpu.memory_space<vmem_shared>>
        tpu.wait_indirect_dma semaphore(%run_scoped3A : memref<!tpu.dma_semaphore, #tpu.memory_space<semaphore_mem>>) src(%arg13 : memref<128x64xf32, #tpu.memory_space<vmem>>) dst(%dma_wait3A_200 : memref<10240x64xf32, #tpu.memory_space<vmem_shared>>)
        tpu.yield
      }) : () -> ()
      %convert_element_type3A_155 = arith.extui %eq3A_90 : i1 to i32
      %cond3A_156 = arith.constant 0 : i32
      %cond3A_157 = arith.cmpi ne, %convert_element_type3A_155, %cond3A_156 : i32
      scf.if %cond3A_157 {
        "tpu.region"() ({
          %run_scoped3A = tpu.sem_alloc : memref<!tpu.dma_semaphore, #tpu.memory_space<semaphore_mem>>
          %dma_start3A_189 = arith.constant 0 : i32
          %dma_start3A_190 = tpu.memref_slice %arg10[%add3A_144, %dma_start3A_189] : memref<160x128xi32, #tpu.memory_space<vmem>> -> memref<1x128xi32, #tpu.memory_space<vmem>>
          %dma_start3A_191 = tpu.memref_squeeze %dma_start3A_190 : memref<1x128xi32, #tpu.memory_space<vmem>> -> memref<128xi32, #tpu.memory_space<vmem>>
          %dma_start3A_192 = arith.constant 0 : i32
          %dma_start3A_193 = tpu.memref_slice %arg21[%dma_start3A_192] : memref<10240xf32, #tpu.memory_space<vmem_shared>> -> memref<10240xf32, #tpu.memory_space<vmem_shared>>
          tpu.enqueue_indirect_dma source(%arg20 : memref<128xf32, #tpu.memory_space<vmem>>) target(%dma_start3A_193 : memref<10240xf32, #tpu.memory_space<vmem_shared>>) offsets(%dma_start3A_191 : memref<128xi32, #tpu.memory_space<vmem>>) semaphore(%run_scoped3A : memref<!tpu.dma_semaphore, #tpu.memory_space<semaphore_mem>>) {add = true}
          %dma_wait3A_194 = arith.constant 0 : i32
          %dma_wait3A_195 = tpu.memref_slice %arg10[%add3A_144, %dma_wait3A_194] : memref<160x128xi32, #tpu.memory_space<vmem>> -> memref<1x128xi32, #tpu.memory_space<vmem>>
          %dma_wait3A_196 = tpu.memref_squeeze %dma_wait3A_195 : memref<1x128xi32, #tpu.memory_space<vmem>> -> memref<128xi32, #tpu.memory_space<vmem>>
          %dma_wait3A_197 = arith.constant 0 : i32
          %dma_wait3A_198 = tpu.memref_slice %arg21[%dma_wait3A_197] : memref<10240xf32, #tpu.memory_space<vmem_shared>> -> memref<10240xf32, #tpu.memory_space<vmem_shared>>
          tpu.wait_indirect_dma semaphore(%run_scoped3A : memref<!tpu.dma_semaphore, #tpu.memory_space<semaphore_mem>>) src(%arg20 : memref<128xf32, #tpu.memory_space<vmem>>) dst(%dma_wait3A_198 : memref<10240xf32, #tpu.memory_space<vmem_shared>>)
          tpu.yield
        }) : () -> ()
      } else {
      }
      %add3A_158 = arith.constant 1 : i32
      %add3A_159 = arith.addi %scan3A_97, %add3A_158 : i32
      %lt3A_160 = arith.constant 40 : i32
      %lt3A_161 = arith.cmpi slt, %add3A_159, %lt3A_160 : i32
      %convert_element_type3A_162 = arith.extui %lt3A_161 : i1 to i32
      %cond3A_163 = arith.constant 0 : i32
      %cond3A_164 = arith.cmpi ne, %convert_element_type3A_162, %cond3A_163 : i32
      scf.if %cond3A_164 {
        %add3A_189 = arith.constant 4 : i32
        %add3A_190 = arith.addi %add3A_144, %add3A_189 : i32
        %dma_start3A_191 = arith.constant 0 : i32
        %dma_start3A_192 = tpu.memref_slice %arg9[%add3A_190, %dma_start3A_191] : memref<160x128xi32, #tpu.memory_space<vmem>> -> memref<1x128xi32, #tpu.memory_space<vmem>>
        %dma_start3A_193 = tpu.memref_squeeze %dma_start3A_192 : memref<1x128xi32, #tpu.memory_space<vmem>> -> memref<128xi32, #tpu.memory_space<vmem>>
        %dma_start3A_194 = arith.constant 0 : i32
        %dma_start3A_195 = arith.constant 0 : i32
        %dma_start3A_196 = tpu.memref_slice %arg2[%arg0, %dma_start3A_194, %dma_start3A_195] : memref<2x10240x64xf32, #tpu.memory_space<hbm>> -> memref<1x10240x64xf32, #tpu.memory_space<hbm>>
        %dma_start3A_197 = tpu.memref_squeeze %dma_start3A_196 : memref<1x10240x64xf32, #tpu.memory_space<hbm>> -> memref<10240x64xf32, #tpu.memory_space<hbm>>
        %dma_start3A_198 = arith.constant 0 : i32
        %dma_start3A_199 = arith.constant 0 : i32
        %dma_start3A_200 = tpu.memref_slice %dma_start3A_197[%dma_start3A_198, %dma_start3A_199] : memref<10240x64xf32, #tpu.memory_space<hbm>> -> memref<10240x64xf32, #tpu.memory_space<hbm>>
        tpu.enqueue_indirect_dma source(%dma_start3A_200 : memref<10240x64xf32, #tpu.memory_space<hbm>>) target(%arg13 : memref<128x64xf32, #tpu.memory_space<vmem>>) offsets(%dma_start3A_193 : memref<128xi32, #tpu.memory_space<vmem>>) semaphore(%arg18 : memref<!tpu.dma_semaphore, #tpu.memory_space<semaphore_mem>>)
      } else {
      }
      %mul3A_165 = arith.constant 4 : i32
      %mul3A_166 = arith.muli %scan3A_97, %mul3A_165 : i32
      %add3A_167 = arith.constant 3 : i32
      %add3A_168 = arith.addi %mul3A_166, %add3A_167 : i32
      %dma_wait3A_169 = arith.constant 0 : i32
      %dma_wait3A_170 = tpu.memref_slice %arg9[%add3A_168, %dma_wait3A_169] : memref<160x128xi32, #tpu.memory_space<vmem>> -> memref<1x128xi32, #tpu.memory_space<vmem>>
      %dma_wait3A_171 = tpu.memref_squeeze %dma_wait3A_170 : memref<1x128xi32, #tpu.memory_space<vmem>> -> memref<128xi32, #tpu.memory_space<vmem>>
      %dma_wait3A_172 = arith.constant 0 : i32
      %dma_wait3A_173 = arith.constant 0 : i32
      %dma_wait3A_174 = tpu.memref_slice %arg2[%arg0, %dma_wait3A_172, %dma_wait3A_173] : memref<2x10240x64xf32, #tpu.memory_space<hbm>> -> memref<1x10240x64xf32, #tpu.memory_space<hbm>>
      %dma_wait3A_175 = tpu.memref_squeeze %dma_wait3A_174 : memref<1x10240x64xf32, #tpu.memory_space<hbm>> -> memref<10240x64xf32, #tpu.memory_space<hbm>>
      %dma_wait3A_176 = arith.constant 0 : i32
      %dma_wait3A_177 = arith.constant 0 : i32
      %dma_wait3A_178 = tpu.memref_slice %dma_wait3A_175[%dma_wait3A_176, %dma_wait3A_177] : memref<10240x64xf32, #tpu.memory_space<hbm>> -> memref<10240x64xf32, #tpu.memory_space<hbm>>
      tpu.wait_indirect_dma semaphore(%arg19 : memref<!tpu.dma_semaphore, #tpu.memory_space<semaphore_mem>>) src(%dma_wait3A_178 : memref<10240x64xf32, #tpu.memory_space<hbm>>) dst(%arg14 : memref<128x64xf32, #tpu.memory_space<vmem>>)
      "tpu.region"() ({
        %run_scoped3A = tpu.sem_alloc : memref<!tpu.dma_semaphore, #tpu.memory_space<semaphore_mem>>
        %dma_start3A_189 = arith.constant 0 : i32
        %dma_start3A_190 = tpu.memref_slice %arg10[%add3A_168, %dma_start3A_189] : memref<160x128xi32, #tpu.memory_space<vmem>> -> memref<1x128xi32, #tpu.memory_space<vmem>>
        %dma_start3A_191 = tpu.memref_squeeze %dma_start3A_190 : memref<1x128xi32, #tpu.memory_space<vmem>> -> memref<128xi32, #tpu.memory_space<vmem>>
        %dma_start3A_192 = arith.constant 0 : i32
        %dma_start3A_193 = arith.constant 0 : i32
        %dma_start3A_194 = tpu.memref_slice %arg15[%dma_start3A_192, %dma_start3A_193] : memref<10240x64xf32, #tpu.memory_space<vmem_shared>> -> memref<10240x64xf32, #tpu.memory_space<vmem_shared>>
        tpu.enqueue_indirect_dma source(%arg14 : memref<128x64xf32, #tpu.memory_space<vmem>>) target(%dma_start3A_194 : memref<10240x64xf32, #tpu.memory_space<vmem_shared>>) offsets(%dma_start3A_191 : memref<128xi32, #tpu.memory_space<vmem>>) semaphore(%run_scoped3A : memref<!tpu.dma_semaphore, #tpu.memory_space<semaphore_mem>>) {add = true}
        %dma_wait3A_195 = arith.constant 0 : i32
        %dma_wait3A_196 = tpu.memref_slice %arg10[%add3A_168, %dma_wait3A_195] : memref<160x128xi32, #tpu.memory_space<vmem>> -> memref<1x128xi32, #tpu.memory_space<vmem>>
        %dma_wait3A_197 = tpu.memref_squeeze %dma_wait3A_196 : memref<1x128xi32, #tpu.memory_space<vmem>> -> memref<128xi32, #tpu.memory_space<vmem>>
        %dma_wait3A_198 = arith.constant 0 : i32
        %dma_wait3A_199 = arith.constant 0 : i32
        %dma_wait3A_200 = tpu.memref_slice %arg15[%dma_wait3A_198, %dma_wait3A_199] : memref<10240x64xf32, #tpu.memory_space<vmem_shared>> -> memref<10240x64xf32, #tpu.memory_space<vmem_shared>>
        tpu.wait_indirect_dma semaphore(%run_scoped3A : memref<!tpu.dma_semaphore, #tpu.memory_space<semaphore_mem>>) src(%arg14 : memref<128x64xf32, #tpu.memory_space<vmem>>) dst(%dma_wait3A_200 : memref<10240x64xf32, #tpu.memory_space<vmem_shared>>)
        tpu.yield
      }) : () -> ()
      %convert_element_type3A_179 = arith.extui %eq3A_90 : i1 to i32
      %cond3A_180 = arith.constant 0 : i32
      %cond3A_181 = arith.cmpi ne, %convert_element_type3A_179, %cond3A_180 : i32
      scf.if %cond3A_181 {
        "tpu.region"() ({
          %run_scoped3A = tpu.sem_alloc : memref<!tpu.dma_semaphore, #tpu.memory_space<semaphore_mem>>
          %dma_start3A_189 = arith.constant 0 : i32
          %dma_start3A_190 = tpu.memref_slice %arg10[%add3A_168, %dma_start3A_189] : memref<160x128xi32, #tpu.memory_space<vmem>> -> memref<1x128xi32, #tpu.memory_space<vmem>>
          %dma_start3A_191 = tpu.memref_squeeze %dma_start3A_190 : memref<1x128xi32, #tpu.memory_space<vmem>> -> memref<128xi32, #tpu.memory_space<vmem>>
          %dma_start3A_192 = arith.constant 0 : i32
          %dma_start3A_193 = tpu.memref_slice %arg21[%dma_start3A_192] : memref<10240xf32, #tpu.memory_space<vmem_shared>> -> memref<10240xf32, #tpu.memory_space<vmem_shared>>
          tpu.enqueue_indirect_dma source(%arg20 : memref<128xf32, #tpu.memory_space<vmem>>) target(%dma_start3A_193 : memref<10240xf32, #tpu.memory_space<vmem_shared>>) offsets(%dma_start3A_191 : memref<128xi32, #tpu.memory_space<vmem>>) semaphore(%run_scoped3A : memref<!tpu.dma_semaphore, #tpu.memory_space<semaphore_mem>>) {add = true}
          %dma_wait3A_194 = arith.constant 0 : i32
          %dma_wait3A_195 = tpu.memref_slice %arg10[%add3A_168, %dma_wait3A_194] : memref<160x128xi32, #tpu.memory_space<vmem>> -> memref<1x128xi32, #tpu.memory_space<vmem>>
          %dma_wait3A_196 = tpu.memref_squeeze %dma_wait3A_195 : memref<1x128xi32, #tpu.memory_space<vmem>> -> memref<128xi32, #tpu.memory_space<vmem>>
          %dma_wait3A_197 = arith.constant 0 : i32
          %dma_wait3A_198 = tpu.memref_slice %arg21[%dma_wait3A_197] : memref<10240xf32, #tpu.memory_space<vmem_shared>> -> memref<10240xf32, #tpu.memory_space<vmem_shared>>
          tpu.wait_indirect_dma semaphore(%run_scoped3A : memref<!tpu.dma_semaphore, #tpu.memory_space<semaphore_mem>>) src(%arg20 : memref<128xf32, #tpu.memory_space<vmem>>) dst(%dma_wait3A_198 : memref<10240xf32, #tpu.memory_space<vmem_shared>>)
          tpu.yield
        }) : () -> ()
      } else {
      }
      %add3A_182 = arith.constant 1 : i32
      %add3A_183 = arith.addi %scan3A_97, %add3A_182 : i32
      %lt3A_184 = arith.constant 40 : i32
      %lt3A_185 = arith.cmpi slt, %add3A_183, %lt3A_184 : i32
      %convert_element_type3A_186 = arith.extui %lt3A_185 : i1 to i32
      %cond3A_187 = arith.constant 0 : i32
      %cond3A_188 = arith.cmpi ne, %convert_element_type3A_186, %cond3A_187 : i32
      scf.if %cond3A_188 {
        %add3A_189 = arith.constant 4 : i32
        %add3A_190 = arith.addi %add3A_168, %add3A_189 : i32
        %dma_start3A_191 = arith.constant 0 : i32
        %dma_start3A_192 = tpu.memref_slice %arg9[%add3A_190, %dma_start3A_191] : memref<160x128xi32, #tpu.memory_space<vmem>> -> memref<1x128xi32, #tpu.memory_space<vmem>>
        %dma_start3A_193 = tpu.memref_squeeze %dma_start3A_192 : memref<1x128xi32, #tpu.memory_space<vmem>> -> memref<128xi32, #tpu.memory_space<vmem>>
        %dma_start3A_194 = arith.constant 0 : i32
        %dma_start3A_195 = arith.constant 0 : i32
        %dma_start3A_196 = tpu.memref_slice %arg2[%arg0, %dma_start3A_194, %dma_start3A_195] : memref<2x10240x64xf32, #tpu.memory_space<hbm>> -> memref<1x10240x64xf32, #tpu.memory_space<hbm>>
        %dma_start3A_197 = tpu.memref_squeeze %dma_start3A_196 : memref<1x10240x64xf32, #tpu.memory_space<hbm>> -> memref<10240x64xf32, #tpu.memory_space<hbm>>
        %dma_start3A_198 = arith.constant 0 : i32
        %dma_start3A_199 = arith.constant 0 : i32
        %dma_start3A_200 = tpu.memref_slice %dma_start3A_197[%dma_start3A_198, %dma_start3A_199] : memref<10240x64xf32, #tpu.memory_space<hbm>> -> memref<10240x64xf32, #tpu.memory_space<hbm>>
        tpu.enqueue_indirect_dma source(%dma_start3A_200 : memref<10240x64xf32, #tpu.memory_space<hbm>>) target(%arg14 : memref<128x64xf32, #tpu.memory_space<vmem>>) offsets(%dma_start3A_193 : memref<128xi32, #tpu.memory_space<vmem>>) semaphore(%arg19 : memref<!tpu.dma_semaphore, #tpu.memory_space<semaphore_mem>>)
      } else {
      }
    }
    %scan3A_95 = arith.constant 40 : i32
    %barrier3A_96 = arith.constant 0 : index
    tpu.barrier barrier_id(%barrier3A_96)
    "tpu.region"() ({
      %run_scoped3A = tpu.sem_alloc : memref<!tpu.dma_semaphore, #tpu.memory_space<semaphore_mem>>
      %dma_start3A_97 = arith.constant 0 : i32
      %dma_start3A_98 = tpu.memref_slice %arg7[%arg0, %mul3A_0, %dma_start3A_97] : memref<2x10240x64xf32, #tpu.memory_space<hbm>> -> memref<1x640x64xf32, #tpu.memory_space<hbm>>
      %dma_start3A_99 = tpu.memref_squeeze %dma_start3A_98 : memref<1x640x64xf32, #tpu.memory_space<hbm>> -> memref<640x64xf32, #tpu.memory_space<hbm>>
      %dma_start3A_100 = arith.constant 0 : i32
      %dma_start3A_101 = tpu.memref_slice %arg15[%mul3A_0, %dma_start3A_100] : memref<10240x64xf32, #tpu.memory_space<vmem_shared>> -> memref<640x64xf32, #tpu.memory_space<vmem_shared>>
      tpu.enqueue_dma source(%dma_start3A_101 : memref<640x64xf32, #tpu.memory_space<vmem_shared>>) target(%dma_start3A_99 : memref<640x64xf32, #tpu.memory_space<hbm>>) target_semaphore(%run_scoped3A : memref<!tpu.dma_semaphore, #tpu.memory_space<semaphore_mem>>)
      %dma_wait3A = arith.constant 0 : i32
      %dma_wait3A_102 = tpu.memref_slice %arg7[%arg0, %mul3A_0, %dma_wait3A] : memref<2x10240x64xf32, #tpu.memory_space<hbm>> -> memref<1x640x64xf32, #tpu.memory_space<hbm>>
      %dma_wait3A_103 = tpu.memref_squeeze %dma_wait3A_102 : memref<1x640x64xf32, #tpu.memory_space<hbm>> -> memref<640x64xf32, #tpu.memory_space<hbm>>
      %dma_wait3A_104 = arith.constant 0 : i32
      %dma_wait3A_105 = tpu.memref_slice %arg15[%mul3A_0, %dma_wait3A_104] : memref<10240x64xf32, #tpu.memory_space<vmem_shared>> -> memref<640x64xf32, #tpu.memory_space<vmem_shared>>
      tpu.wait_dma2 semaphore(%run_scoped3A : memref<!tpu.dma_semaphore, #tpu.memory_space<semaphore_mem>>) src(%dma_wait3A_105 : memref<640x64xf32, #tpu.memory_space<vmem_shared>>) dst(%dma_wait3A_103 : memref<640x64xf32, #tpu.memory_space<hbm>>)
      tpu.yield
    }) : () -> ()
    "tpu.region"() ({
      %run_scoped3A = tpu.sem_alloc : memref<!tpu.dma_semaphore, #tpu.memory_space<semaphore_mem>>
      %dma_start3A_97 = tpu.memref_slice %arg8[%arg0, %mul3A_0] : memref<2x10240xf32, #tpu.memory_space<hbm>> -> memref<1x640xf32, #tpu.memory_space<hbm>>
      %dma_start3A_98 = tpu.memref_squeeze %dma_start3A_97 : memref<1x640xf32, #tpu.memory_space<hbm>> -> memref<640xf32, #tpu.memory_space<hbm>>
      %dma_start3A_99 = tpu.memref_slice %arg21[%mul3A_0] : memref<10240xf32, #tpu.memory_space<vmem_shared>> -> memref<640xf32, #tpu.memory_space<vmem_shared>>
      tpu.enqueue_dma source(%dma_start3A_99 : memref<640xf32, #tpu.memory_space<vmem_shared>>) target(%dma_start3A_98 : memref<640xf32, #tpu.memory_space<hbm>>) target_semaphore(%run_scoped3A : memref<!tpu.dma_semaphore, #tpu.memory_space<semaphore_mem>>)
      %dma_wait3A = tpu.memref_slice %arg8[%arg0, %mul3A_0] : memref<2x10240xf32, #tpu.memory_space<hbm>> -> memref<1x640xf32, #tpu.memory_space<hbm>>
      %dma_wait3A_100 = tpu.memref_squeeze %dma_wait3A : memref<1x640xf32, #tpu.memory_space<hbm>> -> memref<640xf32, #tpu.memory_space<hbm>>
      %dma_wait3A_101 = tpu.memref_slice %arg21[%mul3A_0] : memref<10240xf32, #tpu.memory_space<vmem_shared>> -> memref<640xf32, #tpu.memory_space<vmem_shared>>
      tpu.wait_dma2 semaphore(%run_scoped3A : memref<!tpu.dma_semaphore, #tpu.memory_space<semaphore_mem>>) src(%dma_wait3A_101 : memref<640xf32, #tpu.memory_space<vmem_shared>>) dst(%dma_wait3A_100 : memref<640xf32, #tpu.memory_space<hbm>>)
      tpu.yield
    }) : () -> ()
    return
  }
}

#map = affine_map<(d0, d1) -> (0, 0, 0)>
#map1 = affine_map<(d0, d1) -> (0, 0)>
module attributes {stable_mosaic.version = 14 : i64} {
  func.func @body(%arg0: i32, %arg1: i32, %arg2: memref<2x10240x96xf32, #tpu.memory_space<hbm>>, %arg3: memref<16x160x128xi32, #tpu.memory_space<hbm>>, %arg4: memref<16x160x128xi32, #tpu.memory_space<hbm>>, %arg5: memref<640x96xf32, #tpu.memory_space<hbm>>, %arg6: memref<2x10240x96xf32, #tpu.memory_space<hbm>>, %arg7: memref<160x128xi32, #tpu.memory_space<vmem>>, %arg8: memref<160x128xi32, #tpu.memory_space<vmem>>, %arg9: memref<128x96xf32, #tpu.memory_space<vmem>>, %arg10: memref<128x96xf32, #tpu.memory_space<vmem>>, %arg11: memref<10240x96xf32, #tpu.memory_space<vmem_shared>>, %arg12: memref<!tpu.dma_semaphore, #tpu.memory_space<semaphore_mem>>, %arg13: memref<!tpu.dma_semaphore, #tpu.memory_space<semaphore_mem>>) attributes {dimension_semantics = [#tpu.dimension_semantics<core_parallel>, #tpu.dimension_semantics<subcore_parallel>], iteration_bounds = array<i64: 2, 16>, scalar_prefetch = 0 : i64, scratch_operands = 7 : i64, tpu.core_type = #tpu.core_type<sc_vector_subcore>, window_params = [{transform_indices = #map}, {transform_indices = #map}, {transform_indices = #map}, {transform_indices = #map1}, {transform_indices = #map}]} {
    %mul3A = arith.constant 640 : i32
    %mul3A_0 = arith.muli %arg1, %mul3A : i32
    "tpu.region"() ({
      %run_scoped3A = tpu.sem_alloc : memref<!tpu.dma_semaphore, #tpu.memory_space<semaphore_mem>>
      %dma_start3A_28 = arith.constant 0 : i32
      %dma_start3A_29 = arith.constant 0 : i32
      %dma_start3A_30 = tpu.memref_slice %arg3[%arg1, %dma_start3A_28, %dma_start3A_29] : memref<16x160x128xi32, #tpu.memory_space<hbm>> -> memref<1x160x128xi32, #tpu.memory_space<hbm>>
      %dma_start3A_31 = tpu.memref_squeeze %dma_start3A_30 : memref<1x160x128xi32, #tpu.memory_space<hbm>> -> memref<160x128xi32, #tpu.memory_space<hbm>>
      %dma_start3A_32 = arith.constant 0 : i32
      %dma_start3A_33 = arith.constant 0 : i32
      %dma_start3A_34 = tpu.memref_slice %arg3[%arg1, %dma_start3A_32, %dma_start3A_33] : memref<16x160x128xi32, #tpu.memory_space<hbm>> -> memref<1x160x128xi32, #tpu.memory_space<hbm>>
      %dma_start3A_35 = tpu.memref_squeeze %dma_start3A_34 : memref<1x160x128xi32, #tpu.memory_space<hbm>> -> memref<160x128xi32, #tpu.memory_space<hbm>>
      tpu.enqueue_dma source(%dma_start3A_35 : memref<160x128xi32, #tpu.memory_space<hbm>>) target(%arg7 : memref<160x128xi32, #tpu.memory_space<vmem>>) target_semaphore(%run_scoped3A : memref<!tpu.dma_semaphore, #tpu.memory_space<semaphore_mem>>)
      %dma_wait3A = arith.constant 0 : i32
      %dma_wait3A_36 = arith.constant 0 : i32
      %dma_wait3A_37 = tpu.memref_slice %arg3[%arg1, %dma_wait3A, %dma_wait3A_36] : memref<16x160x128xi32, #tpu.memory_space<hbm>> -> memref<1x160x128xi32, #tpu.memory_space<hbm>>
      %dma_wait3A_38 = tpu.memref_squeeze %dma_wait3A_37 : memref<1x160x128xi32, #tpu.memory_space<hbm>> -> memref<160x128xi32, #tpu.memory_space<hbm>>
      %dma_wait3A_39 = arith.constant 0 : i32
      %dma_wait3A_40 = arith.constant 0 : i32
      %dma_wait3A_41 = tpu.memref_slice %arg3[%arg1, %dma_wait3A_39, %dma_wait3A_40] : memref<16x160x128xi32, #tpu.memory_space<hbm>> -> memref<1x160x128xi32, #tpu.memory_space<hbm>>
      %dma_wait3A_42 = tpu.memref_squeeze %dma_wait3A_41 : memref<1x160x128xi32, #tpu.memory_space<hbm>> -> memref<160x128xi32, #tpu.memory_space<hbm>>
      tpu.wait_dma2 semaphore(%run_scoped3A : memref<!tpu.dma_semaphore, #tpu.memory_space<semaphore_mem>>) src(%dma_wait3A_42 : memref<160x128xi32, #tpu.memory_space<hbm>>) dst(%arg7 : memref<160x128xi32, #tpu.memory_space<vmem>>)
      tpu.yield
    }) : () -> ()
    "tpu.region"() ({
      %run_scoped3A = tpu.sem_alloc : memref<!tpu.dma_semaphore, #tpu.memory_space<semaphore_mem>>
      %dma_start3A_28 = arith.constant 0 : i32
      %dma_start3A_29 = arith.constant 0 : i32
      %dma_start3A_30 = tpu.memref_slice %arg4[%arg1, %dma_start3A_28, %dma_start3A_29] : memref<16x160x128xi32, #tpu.memory_space<hbm>> -> memref<1x160x128xi32, #tpu.memory_space<hbm>>
      %dma_start3A_31 = tpu.memref_squeeze %dma_start3A_30 : memref<1x160x128xi32, #tpu.memory_space<hbm>> -> memref<160x128xi32, #tpu.memory_space<hbm>>
      %dma_start3A_32 = arith.constant 0 : i32
      %dma_start3A_33 = arith.constant 0 : i32
      %dma_start3A_34 = tpu.memref_slice %arg4[%arg1, %dma_start3A_32, %dma_start3A_33] : memref<16x160x128xi32, #tpu.memory_space<hbm>> -> memref<1x160x128xi32, #tpu.memory_space<hbm>>
      %dma_start3A_35 = tpu.memref_squeeze %dma_start3A_34 : memref<1x160x128xi32, #tpu.memory_space<hbm>> -> memref<160x128xi32, #tpu.memory_space<hbm>>
      tpu.enqueue_dma source(%dma_start3A_35 : memref<160x128xi32, #tpu.memory_space<hbm>>) target(%arg8 : memref<160x128xi32, #tpu.memory_space<vmem>>) target_semaphore(%run_scoped3A : memref<!tpu.dma_semaphore, #tpu.memory_space<semaphore_mem>>)
      %dma_wait3A = arith.constant 0 : i32
      %dma_wait3A_36 = arith.constant 0 : i32
      %dma_wait3A_37 = tpu.memref_slice %arg4[%arg1, %dma_wait3A, %dma_wait3A_36] : memref<16x160x128xi32, #tpu.memory_space<hbm>> -> memref<1x160x128xi32, #tpu.memory_space<hbm>>
      %dma_wait3A_38 = tpu.memref_squeeze %dma_wait3A_37 : memref<1x160x128xi32, #tpu.memory_space<hbm>> -> memref<160x128xi32, #tpu.memory_space<hbm>>
      %dma_wait3A_39 = arith.constant 0 : i32
      %dma_wait3A_40 = arith.constant 0 : i32
      %dma_wait3A_41 = tpu.memref_slice %arg4[%arg1, %dma_wait3A_39, %dma_wait3A_40] : memref<16x160x128xi32, #tpu.memory_space<hbm>> -> memref<1x160x128xi32, #tpu.memory_space<hbm>>
      %dma_wait3A_42 = tpu.memref_squeeze %dma_wait3A_41 : memref<1x160x128xi32, #tpu.memory_space<hbm>> -> memref<160x128xi32, #tpu.memory_space<hbm>>
      tpu.wait_dma2 semaphore(%run_scoped3A : memref<!tpu.dma_semaphore, #tpu.memory_space<semaphore_mem>>) src(%dma_wait3A_42 : memref<160x128xi32, #tpu.memory_space<hbm>>) dst(%arg8 : memref<160x128xi32, #tpu.memory_space<vmem>>)
      tpu.yield
    }) : () -> ()
    %dma_start3A = arith.constant 0 : i32
    %dma_start3A_1 = arith.constant 0 : i32
    %dma_start3A_2 = tpu.memref_slice %arg7[%dma_start3A, %dma_start3A_1] : memref<160x128xi32, #tpu.memory_space<vmem>> -> memref<1x128xi32, #tpu.memory_space<vmem>>
    %dma_start3A_3 = tpu.memref_squeeze %dma_start3A_2 : memref<1x128xi32, #tpu.memory_space<vmem>> -> memref<128xi32, #tpu.memory_space<vmem>>
    %dma_start3A_4 = arith.constant 0 : i32
    %dma_start3A_5 = arith.constant 0 : i32
    %dma_start3A_6 = tpu.memref_slice %arg2[%arg0, %dma_start3A_4, %dma_start3A_5] : memref<2x10240x96xf32, #tpu.memory_space<hbm>> -> memref<1x10240x96xf32, #tpu.memory_space<hbm>>
    %dma_start3A_7 = tpu.memref_squeeze %dma_start3A_6 : memref<1x10240x96xf32, #tpu.memory_space<hbm>> -> memref<10240x96xf32, #tpu.memory_space<hbm>>
    %dma_start3A_8 = arith.constant 0 : i32
    %dma_start3A_9 = arith.constant 0 : i32
    %dma_start3A_10 = tpu.memref_slice %dma_start3A_7[%dma_start3A_8, %dma_start3A_9] : memref<10240x96xf32, #tpu.memory_space<hbm>> -> memref<10240x96xf32, #tpu.memory_space<hbm>>
    tpu.enqueue_indirect_dma source(%dma_start3A_10 : memref<10240x96xf32, #tpu.memory_space<hbm>>) target(%arg9 : memref<128x96xf32, #tpu.memory_space<vmem>>) offsets(%dma_start3A_3 : memref<128xi32, #tpu.memory_space<vmem>>) semaphore(%arg12 : memref<!tpu.dma_semaphore, #tpu.memory_space<semaphore_mem>>)
    %dma_start3A_11 = arith.constant 1 : i32
    %dma_start3A_12 = arith.constant 0 : i32
    %dma_start3A_13 = tpu.memref_slice %arg7[%dma_start3A_11, %dma_start3A_12] : memref<160x128xi32, #tpu.memory_space<vmem>> -> memref<1x128xi32, #tpu.memory_space<vmem>>
    %dma_start3A_14 = tpu.memref_squeeze %dma_start3A_13 : memref<1x128xi32, #tpu.memory_space<vmem>> -> memref<128xi32, #tpu.memory_space<vmem>>
    %dma_start3A_15 = arith.constant 0 : i32
    %dma_start3A_16 = arith.constant 0 : i32
    %dma_start3A_17 = tpu.memref_slice %arg2[%arg0, %dma_start3A_15, %dma_start3A_16] : memref<2x10240x96xf32, #tpu.memory_space<hbm>> -> memref<1x10240x96xf32, #tpu.memory_space<hbm>>
    %dma_start3A_18 = tpu.memref_squeeze %dma_start3A_17 : memref<1x10240x96xf32, #tpu.memory_space<hbm>> -> memref<10240x96xf32, #tpu.memory_space<hbm>>
    %dma_start3A_19 = arith.constant 0 : i32
    %dma_start3A_20 = arith.constant 0 : i32
    %dma_start3A_21 = tpu.memref_slice %dma_start3A_18[%dma_start3A_19, %dma_start3A_20] : memref<10240x96xf32, #tpu.memory_space<hbm>> -> memref<10240x96xf32, #tpu.memory_space<hbm>>
    tpu.enqueue_indirect_dma source(%dma_start3A_21 : memref<10240x96xf32, #tpu.memory_space<hbm>>) target(%arg10 : memref<128x96xf32, #tpu.memory_space<vmem>>) offsets(%dma_start3A_14 : memref<128xi32, #tpu.memory_space<vmem>>) semaphore(%arg13 : memref<!tpu.dma_semaphore, #tpu.memory_space<semaphore_mem>>)
    "tpu.region"() ({
      %run_scoped3A = tpu.sem_alloc : memref<!tpu.dma_semaphore, #tpu.memory_space<semaphore_mem>>
      %dma_start3A_28 = arith.constant 0 : i32
      %dma_start3A_29 = tpu.memref_slice %arg11[%mul3A_0, %dma_start3A_28] : memref<10240x96xf32, #tpu.memory_space<vmem_shared>> -> memref<640x96xf32, #tpu.memory_space<vmem_shared>>
      tpu.enqueue_dma source(%arg5 : memref<640x96xf32, #tpu.memory_space<hbm>>) target(%dma_start3A_29 : memref<640x96xf32, #tpu.memory_space<vmem_shared>>) target_semaphore(%run_scoped3A : memref<!tpu.dma_semaphore, #tpu.memory_space<semaphore_mem>>)
      %dma_wait3A = arith.constant 0 : i32
      %dma_wait3A_30 = tpu.memref_slice %arg11[%mul3A_0, %dma_wait3A] : memref<10240x96xf32, #tpu.memory_space<vmem_shared>> -> memref<640x96xf32, #tpu.memory_space<vmem_shared>>
      tpu.wait_dma2 semaphore(%run_scoped3A : memref<!tpu.dma_semaphore, #tpu.memory_space<semaphore_mem>>) src(%arg5 : memref<640x96xf32, #tpu.memory_space<hbm>>) dst(%dma_wait3A_30 : memref<640x96xf32, #tpu.memory_space<vmem_shared>>)
      tpu.yield
    }) : () -> ()
    %barrier3A = arith.constant 0 : index
    tpu.barrier barrier_id(%barrier3A)
    %scan3A = arith.constant 0 : i32
    %scan3A_22 = arith.constant 0 : i32
    %scan3A_23 = arith.constant 80 : i32
    %scan3A_24 = arith.addi %scan3A_22, %scan3A_23 : i32
    %scan3A_25 = arith.constant 1 : i32
    scf.for %scan3A_28 = %scan3A_22 to %scan3A_24 step %scan3A_25  : i32 {
      %mul3A_29 = arith.constant 2 : i32
      %mul3A_30 = arith.muli %scan3A_28, %mul3A_29 : i32
      %add3A = arith.constant 0 : i32
      %add3A_31 = arith.addi %mul3A_30, %add3A : i32
      %dma_wait3A = arith.constant 0 : i32
      %dma_wait3A_32 = tpu.memref_slice %arg7[%add3A_31, %dma_wait3A] : memref<160x128xi32, #tpu.memory_space<vmem>> -> memref<1x128xi32, #tpu.memory_space<vmem>>
      %dma_wait3A_33 = tpu.memref_squeeze %dma_wait3A_32 : memref<1x128xi32, #tpu.memory_space<vmem>> -> memref<128xi32, #tpu.memory_space<vmem>>
      %dma_wait3A_34 = arith.constant 0 : i32
      %dma_wait3A_35 = arith.constant 0 : i32
      %dma_wait3A_36 = tpu.memref_slice %arg2[%arg0, %dma_wait3A_34, %dma_wait3A_35] : memref<2x10240x96xf32, #tpu.memory_space<hbm>> -> memref<1x10240x96xf32, #tpu.memory_space<hbm>>
      %dma_wait3A_37 = tpu.memref_squeeze %dma_wait3A_36 : memref<1x10240x96xf32, #tpu.memory_space<hbm>> -> memref<10240x96xf32, #tpu.memory_space<hbm>>
      %dma_wait3A_38 = arith.constant 0 : i32
      %dma_wait3A_39 = arith.constant 0 : i32
      %dma_wait3A_40 = tpu.memref_slice %dma_wait3A_37[%dma_wait3A_38, %dma_wait3A_39] : memref<10240x96xf32, #tpu.memory_space<hbm>> -> memref<10240x96xf32, #tpu.memory_space<hbm>>
      tpu.wait_indirect_dma semaphore(%arg12 : memref<!tpu.dma_semaphore, #tpu.memory_space<semaphore_mem>>) src(%dma_wait3A_40 : memref<10240x96xf32, #tpu.memory_space<hbm>>) dst(%arg9 : memref<128x96xf32, #tpu.memory_space<vmem>>)
      "tpu.region"() ({
        %run_scoped3A = tpu.sem_alloc : memref<!tpu.dma_semaphore, #tpu.memory_space<semaphore_mem>>
        %dma_start3A_66 = arith.constant 0 : i32
        %dma_start3A_67 = tpu.memref_slice %arg8[%add3A_31, %dma_start3A_66] : memref<160x128xi32, #tpu.memory_space<vmem>> -> memref<1x128xi32, #tpu.memory_space<vmem>>
        %dma_start3A_68 = tpu.memref_squeeze %dma_start3A_67 : memref<1x128xi32, #tpu.memory_space<vmem>> -> memref<128xi32, #tpu.memory_space<vmem>>
        %dma_start3A_69 = arith.constant 0 : i32
        %dma_start3A_70 = arith.constant 0 : i32
        %dma_start3A_71 = tpu.memref_slice %arg11[%dma_start3A_69, %dma_start3A_70] : memref<10240x96xf32, #tpu.memory_space<vmem_shared>> -> memref<10240x96xf32, #tpu.memory_space<vmem_shared>>
        tpu.enqueue_indirect_dma source(%arg9 : memref<128x96xf32, #tpu.memory_space<vmem>>) target(%dma_start3A_71 : memref<10240x96xf32, #tpu.memory_space<vmem_shared>>) offsets(%dma_start3A_68 : memref<128xi32, #tpu.memory_space<vmem>>) semaphore(%run_scoped3A : memref<!tpu.dma_semaphore, #tpu.memory_space<semaphore_mem>>) {add = true}
        %dma_wait3A_72 = arith.constant 0 : i32
        %dma_wait3A_73 = tpu.memref_slice %arg8[%add3A_31, %dma_wait3A_72] : memref<160x128xi32, #tpu.memory_space<vmem>> -> memref<1x128xi32, #tpu.memory_space<vmem>>
        %dma_wait3A_74 = tpu.memref_squeeze %dma_wait3A_73 : memref<1x128xi32, #tpu.memory_space<vmem>> -> memref<128xi32, #tpu.memory_space<vmem>>
        %dma_wait3A_75 = arith.constant 0 : i32
        %dma_wait3A_76 = arith.constant 0 : i32
        %dma_wait3A_77 = tpu.memref_slice %arg11[%dma_wait3A_75, %dma_wait3A_76] : memref<10240x96xf32, #tpu.memory_space<vmem_shared>> -> memref<10240x96xf32, #tpu.memory_space<vmem_shared>>
        tpu.wait_indirect_dma semaphore(%run_scoped3A : memref<!tpu.dma_semaphore, #tpu.memory_space<semaphore_mem>>) src(%arg9 : memref<128x96xf32, #tpu.memory_space<vmem>>) dst(%dma_wait3A_77 : memref<10240x96xf32, #tpu.memory_space<vmem_shared>>)
        tpu.yield
      }) : () -> ()
      %add3A_41 = arith.constant 1 : i32
      %add3A_42 = arith.addi %scan3A_28, %add3A_41 : i32
      %lt3A = arith.constant 80 : i32
      %lt3A_43 = arith.cmpi slt, %add3A_42, %lt3A : i32
      %convert_element_type3A = arith.extui %lt3A_43 : i1 to i32
      %cond3A = arith.constant 0 : i32
      %cond3A_44 = arith.cmpi ne, %convert_element_type3A, %cond3A : i32
      scf.if %cond3A_44 {
        %add3A_66 = arith.constant 2 : i32
        %add3A_67 = arith.addi %add3A_31, %add3A_66 : i32
        %dma_start3A_68 = arith.constant 0 : i32
        %dma_start3A_69 = tpu.memref_slice %arg7[%add3A_67, %dma_start3A_68] : memref<160x128xi32, #tpu.memory_space<vmem>> -> memref<1x128xi32, #tpu.memory_space<vmem>>
        %dma_start3A_70 = tpu.memref_squeeze %dma_start3A_69 : memref<1x128xi32, #tpu.memory_space<vmem>> -> memref<128xi32, #tpu.memory_space<vmem>>
        %dma_start3A_71 = arith.constant 0 : i32
        %dma_start3A_72 = arith.constant 0 : i32
        %dma_start3A_73 = tpu.memref_slice %arg2[%arg0, %dma_start3A_71, %dma_start3A_72] : memref<2x10240x96xf32, #tpu.memory_space<hbm>> -> memref<1x10240x96xf32, #tpu.memory_space<hbm>>
        %dma_start3A_74 = tpu.memref_squeeze %dma_start3A_73 : memref<1x10240x96xf32, #tpu.memory_space<hbm>> -> memref<10240x96xf32, #tpu.memory_space<hbm>>
        %dma_start3A_75 = arith.constant 0 : i32
        %dma_start3A_76 = arith.constant 0 : i32
        %dma_start3A_77 = tpu.memref_slice %dma_start3A_74[%dma_start3A_75, %dma_start3A_76] : memref<10240x96xf32, #tpu.memory_space<hbm>> -> memref<10240x96xf32, #tpu.memory_space<hbm>>
        tpu.enqueue_indirect_dma source(%dma_start3A_77 : memref<10240x96xf32, #tpu.memory_space<hbm>>) target(%arg9 : memref<128x96xf32, #tpu.memory_space<vmem>>) offsets(%dma_start3A_70 : memref<128xi32, #tpu.memory_space<vmem>>) semaphore(%arg12 : memref<!tpu.dma_semaphore, #tpu.memory_space<semaphore_mem>>)
      } else {
      }
      %mul3A_45 = arith.constant 2 : i32
      %mul3A_46 = arith.muli %scan3A_28, %mul3A_45 : i32
      %add3A_47 = arith.constant 1 : i32
      %add3A_48 = arith.addi %mul3A_46, %add3A_47 : i32
      %dma_wait3A_49 = arith.constant 0 : i32
      %dma_wait3A_50 = tpu.memref_slice %arg7[%add3A_48, %dma_wait3A_49] : memref<160x128xi32, #tpu.memory_space<vmem>> -> memref<1x128xi32, #tpu.memory_space<vmem>>
      %dma_wait3A_51 = tpu.memref_squeeze %dma_wait3A_50 : memref<1x128xi32, #tpu.memory_space<vmem>> -> memref<128xi32, #tpu.memory_space<vmem>>
      %dma_wait3A_52 = arith.constant 0 : i32
      %dma_wait3A_53 = arith.constant 0 : i32
      %dma_wait3A_54 = tpu.memref_slice %arg2[%arg0, %dma_wait3A_52, %dma_wait3A_53] : memref<2x10240x96xf32, #tpu.memory_space<hbm>> -> memref<1x10240x96xf32, #tpu.memory_space<hbm>>
      %dma_wait3A_55 = tpu.memref_squeeze %dma_wait3A_54 : memref<1x10240x96xf32, #tpu.memory_space<hbm>> -> memref<10240x96xf32, #tpu.memory_space<hbm>>
      %dma_wait3A_56 = arith.constant 0 : i32
      %dma_wait3A_57 = arith.constant 0 : i32
      %dma_wait3A_58 = tpu.memref_slice %dma_wait3A_55[%dma_wait3A_56, %dma_wait3A_57] : memref<10240x96xf32, #tpu.memory_space<hbm>> -> memref<10240x96xf32, #tpu.memory_space<hbm>>
      tpu.wait_indirect_dma semaphore(%arg13 : memref<!tpu.dma_semaphore, #tpu.memory_space<semaphore_mem>>) src(%dma_wait3A_58 : memref<10240x96xf32, #tpu.memory_space<hbm>>) dst(%arg10 : memref<128x96xf32, #tpu.memory_space<vmem>>)
      "tpu.region"() ({
        %run_scoped3A = tpu.sem_alloc : memref<!tpu.dma_semaphore, #tpu.memory_space<semaphore_mem>>
        %dma_start3A_66 = arith.constant 0 : i32
        %dma_start3A_67 = tpu.memref_slice %arg8[%add3A_48, %dma_start3A_66] : memref<160x128xi32, #tpu.memory_space<vmem>> -> memref<1x128xi32, #tpu.memory_space<vmem>>
        %dma_start3A_68 = tpu.memref_squeeze %dma_start3A_67 : memref<1x128xi32, #tpu.memory_space<vmem>> -> memref<128xi32, #tpu.memory_space<vmem>>
        %dma_start3A_69 = arith.constant 0 : i32
        %dma_start3A_70 = arith.constant 0 : i32
        %dma_start3A_71 = tpu.memref_slice %arg11[%dma_start3A_69, %dma_start3A_70] : memref<10240x96xf32, #tpu.memory_space<vmem_shared>> -> memref<10240x96xf32, #tpu.memory_space<vmem_shared>>
        tpu.enqueue_indirect_dma source(%arg10 : memref<128x96xf32, #tpu.memory_space<vmem>>) target(%dma_start3A_71 : memref<10240x96xf32, #tpu.memory_space<vmem_shared>>) offsets(%dma_start3A_68 : memref<128xi32, #tpu.memory_space<vmem>>) semaphore(%run_scoped3A : memref<!tpu.dma_semaphore, #tpu.memory_space<semaphore_mem>>) {add = true}
        %dma_wait3A_72 = arith.constant 0 : i32
        %dma_wait3A_73 = tpu.memref_slice %arg8[%add3A_48, %dma_wait3A_72] : memref<160x128xi32, #tpu.memory_space<vmem>> -> memref<1x128xi32, #tpu.memory_space<vmem>>
        %dma_wait3A_74 = tpu.memref_squeeze %dma_wait3A_73 : memref<1x128xi32, #tpu.memory_space<vmem>> -> memref<128xi32, #tpu.memory_space<vmem>>
        %dma_wait3A_75 = arith.constant 0 : i32
        %dma_wait3A_76 = arith.constant 0 : i32
        %dma_wait3A_77 = tpu.memref_slice %arg11[%dma_wait3A_75, %dma_wait3A_76] : memref<10240x96xf32, #tpu.memory_space<vmem_shared>> -> memref<10240x96xf32, #tpu.memory_space<vmem_shared>>
        tpu.wait_indirect_dma semaphore(%run_scoped3A : memref<!tpu.dma_semaphore, #tpu.memory_space<semaphore_mem>>) src(%arg10 : memref<128x96xf32, #tpu.memory_space<vmem>>) dst(%dma_wait3A_77 : memref<10240x96xf32, #tpu.memory_space<vmem_shared>>)
        tpu.yield
      }) : () -> ()
      %add3A_59 = arith.constant 1 : i32
      %add3A_60 = arith.addi %scan3A_28, %add3A_59 : i32
      %lt3A_61 = arith.constant 80 : i32
      %lt3A_62 = arith.cmpi slt, %add3A_60, %lt3A_61 : i32
      %convert_element_type3A_63 = arith.extui %lt3A_62 : i1 to i32
      %cond3A_64 = arith.constant 0 : i32
      %cond3A_65 = arith.cmpi ne, %convert_element_type3A_63, %cond3A_64 : i32
      scf.if %cond3A_65 {
        %add3A_66 = arith.constant 2 : i32
        %add3A_67 = arith.addi %add3A_48, %add3A_66 : i32
        %dma_start3A_68 = arith.constant 0 : i32
        %dma_start3A_69 = tpu.memref_slice %arg7[%add3A_67, %dma_start3A_68] : memref<160x128xi32, #tpu.memory_space<vmem>> -> memref<1x128xi32, #tpu.memory_space<vmem>>
        %dma_start3A_70 = tpu.memref_squeeze %dma_start3A_69 : memref<1x128xi32, #tpu.memory_space<vmem>> -> memref<128xi32, #tpu.memory_space<vmem>>
        %dma_start3A_71 = arith.constant 0 : i32
        %dma_start3A_72 = arith.constant 0 : i32
        %dma_start3A_73 = tpu.memref_slice %arg2[%arg0, %dma_start3A_71, %dma_start3A_72] : memref<2x10240x96xf32, #tpu.memory_space<hbm>> -> memref<1x10240x96xf32, #tpu.memory_space<hbm>>
        %dma_start3A_74 = tpu.memref_squeeze %dma_start3A_73 : memref<1x10240x96xf32, #tpu.memory_space<hbm>> -> memref<10240x96xf32, #tpu.memory_space<hbm>>
        %dma_start3A_75 = arith.constant 0 : i32
        %dma_start3A_76 = arith.constant 0 : i32
        %dma_start3A_77 = tpu.memref_slice %dma_start3A_74[%dma_start3A_75, %dma_start3A_76] : memref<10240x96xf32, #tpu.memory_space<hbm>> -> memref<10240x96xf32, #tpu.memory_space<hbm>>
        tpu.enqueue_indirect_dma source(%dma_start3A_77 : memref<10240x96xf32, #tpu.memory_space<hbm>>) target(%arg10 : memref<128x96xf32, #tpu.memory_space<vmem>>) offsets(%dma_start3A_70 : memref<128xi32, #tpu.memory_space<vmem>>) semaphore(%arg13 : memref<!tpu.dma_semaphore, #tpu.memory_space<semaphore_mem>>)
      } else {
      }
    }
    %scan3A_26 = arith.constant 80 : i32
    %barrier3A_27 = arith.constant 0 : index
    tpu.barrier barrier_id(%barrier3A_27)
    "tpu.region"() ({
      %run_scoped3A = tpu.sem_alloc : memref<!tpu.dma_semaphore, #tpu.memory_space<semaphore_mem>>
      %dma_start3A_28 = arith.constant 0 : i32
      %dma_start3A_29 = tpu.memref_slice %arg6[%arg0, %mul3A_0, %dma_start3A_28] : memref<2x10240x96xf32, #tpu.memory_space<hbm>> -> memref<1x640x96xf32, #tpu.memory_space<hbm>>
      %dma_start3A_30 = tpu.memref_squeeze %dma_start3A_29 : memref<1x640x96xf32, #tpu.memory_space<hbm>> -> memref<640x96xf32, #tpu.memory_space<hbm>>
      %dma_start3A_31 = arith.constant 0 : i32
      %dma_start3A_32 = tpu.memref_slice %arg11[%mul3A_0, %dma_start3A_31] : memref<10240x96xf32, #tpu.memory_space<vmem_shared>> -> memref<640x96xf32, #tpu.memory_space<vmem_shared>>
      tpu.enqueue_dma source(%dma_start3A_32 : memref<640x96xf32, #tpu.memory_space<vmem_shared>>) target(%dma_start3A_30 : memref<640x96xf32, #tpu.memory_space<hbm>>) target_semaphore(%run_scoped3A : memref<!tpu.dma_semaphore, #tpu.memory_space<semaphore_mem>>)
      %dma_wait3A = arith.constant 0 : i32
      %dma_wait3A_33 = tpu.memref_slice %arg6[%arg0, %mul3A_0, %dma_wait3A] : memref<2x10240x96xf32, #tpu.memory_space<hbm>> -> memref<1x640x96xf32, #tpu.memory_space<hbm>>
      %dma_wait3A_34 = tpu.memref_squeeze %dma_wait3A_33 : memref<1x640x96xf32, #tpu.memory_space<hbm>> -> memref<640x96xf32, #tpu.memory_space<hbm>>
      %dma_wait3A_35 = arith.constant 0 : i32
      %dma_wait3A_36 = tpu.memref_slice %arg11[%mul3A_0, %dma_wait3A_35] : memref<10240x96xf32, #tpu.memory_space<vmem_shared>> -> memref<640x96xf32, #tpu.memory_space<vmem_shared>>
      tpu.wait_dma2 semaphore(%run_scoped3A : memref<!tpu.dma_semaphore, #tpu.memory_space<semaphore_mem>>) src(%dma_wait3A_36 : memref<640x96xf32, #tpu.memory_space<vmem_shared>>) dst(%dma_wait3A_34 : memref<640x96xf32, #tpu.memory_space<hbm>>)
      tpu.yield
    }) : () -> ()
    return
  }
}

module attributes {stable_mosaic.version = 14 : i64} {
  func.func @_tc_layer_body(%arg0: i32, %arg1: memref<2x512x64xf32, #tpu.memory_space<vmem>>, %arg2: memref<512x1xf32, #tpu.memory_space<vmem>>, %arg3: memref<512x128xf32, #tpu.memory_space<vmem>>, %arg4: memref<128x192xf32, #tpu.memory_space<vmem>>, %arg5: memref<128x192xf32, #tpu.memory_space<vmem>>, %arg6: memref<1x192xf32, #tpu.memory_space<vmem>>, %arg7: memref<2x512x96xf32, #tpu.memory_space<vmem>>) attributes {dimension_semantics = [#tpu.dimension_semantics<arbitrary>], iteration_bounds = array<i64: 20>, scalar_prefetch = 0 : i64, scratch_operands = 0 : i64, tpu.core_type = #tpu.core_type<tc>, window_params = [{transform_indices = @transform_0, window_bounds = array<i64: 2, 512, 64>}, {transform_indices = @transform_1, window_bounds = array<i64: 512, 1>}, {transform_indices = @transform_2, window_bounds = array<i64: 512, 128>}, {pipeline_mode = #tpu.pipeline_mode<synchronous>, transform_indices = @transform_3, window_bounds = array<i64: 128, 192>}, {pipeline_mode = #tpu.pipeline_mode<synchronous>, transform_indices = @transform_4, window_bounds = array<i64: 128, 192>}, {pipeline_mode = #tpu.pipeline_mode<synchronous>, transform_indices = @transform_5, window_bounds = array<i64: 1, 192>}, {transform_indices = @transform_6, window_bounds = array<i64: 2, 512, 96>}]} {
    %get3A = arith.constant 0 : index
    %get3A_0 = arith.constant 0 : index
    %get3A_1 = vector.load %arg3[%get3A, %get3A_0] : memref<512x128xf32, #tpu.memory_space<vmem>>, vector<512x128xf32>
    %get3A_2 = arith.constant 0 : index
    %get3A_3 = arith.constant 0 : index
    %get3A_4 = arith.constant 0 : index
    %get3A_5 = vector.load %arg1[%get3A_2, %get3A_3, %get3A_4] : memref<2x512x64xf32, #tpu.memory_space<vmem>>, vector<1x512x64xf32>
    %get3A_6 = vector.shape_cast %get3A_5 : vector<1x512x64xf32> to vector<512x64xf32>
    %get3A_7 = arith.constant 1 : index
    %get3A_8 = arith.constant 0 : index
    %get3A_9 = arith.constant 0 : index
    %get3A_10 = vector.load %arg1[%get3A_7, %get3A_8, %get3A_9] : memref<2x512x64xf32, #tpu.memory_space<vmem>>, vector<1x512x64xf32>
    %get3A_11 = vector.shape_cast %get3A_10 : vector<1x512x64xf32> to vector<512x64xf32>
    %concatenate3A = tpu.concatenate %get3A_6, %get3A_11 in 1 : vector<512x64xf32>, vector<512x64xf32> -> vector<512x128xf32>
    %get3A_12 = arith.constant 0 : index
    %get3A_13 = arith.constant 0 : index
    %get3A_14 = vector.load %arg2[%get3A_12, %get3A_13] : memref<512x1xf32, #tpu.memory_space<vmem>>, vector<512x1xf32>
    %gt3A = arith.constant 0.000000e+00 : f32
    %gt3A_15 = vector.broadcast %gt3A : f32 to vector<512x1xf32>
    %gt3A_16 = arith.cmpf ogt, %get3A_14, %gt3A_15 : vector<512x1xf32>
    %jit3A = arith.constant 1.000000e+00 : f32
    %broadcast_in_dim3A = vector.broadcast %jit3A : f32 to vector<512x1xf32>
    %select_n3A = arith.select %gt3A_16, %get3A_14, %broadcast_in_dim3A : vector<512x1xi1>, vector<512x1xf32>
    %div3A = arith.constant 1.000000e+00 : f32
    %div3A_17 = vector.broadcast %div3A : f32 to vector<512x1xf32>
    %div3A_18 = arith.divf %div3A_17, %select_n3A : vector<512x1xf32>
    %jit3A_19 = arith.constant 0.000000e+00 : f32
    %broadcast_in_dim3A_20 = vector.broadcast %jit3A_19 : f32 to vector<512x1xf32>
    %select_n3A_21 = arith.select %gt3A_16, %div3A_18, %broadcast_in_dim3A_20 : vector<512x1xi1>, vector<512x1xf32>
    %jit3A_22 = arith.constant 0.000000e+00 : f32
    %broadcast_in_dim3A_23 = vector.shape_cast %gt3A_16 : vector<512x1xi1> to vector<512x1xi1>
    %broadcast_in_dim3A_24 = vector.broadcast %broadcast_in_dim3A_23 : vector<512x1xi1> to vector<512x128xi1>
    %broadcast_in_dim3A_25 = vector.broadcast %jit3A_22 : f32 to vector<512x128xf32>
    %select_n3A_26 = arith.select %broadcast_in_dim3A_24, %get3A_1, %broadcast_in_dim3A_25 : vector<512x128xi1>, vector<512x128xf32>
    %mul3A = vector.broadcast %select_n3A_21 : vector<512x1xf32> to vector<512x128xf32>
    %mul3A_27 = arith.mulf %mul3A, %concatenate3A : vector<512x128xf32>
    %sub3A = arith.subf %select_n3A_26, %mul3A_27 : vector<512x128xf32>
    %get3A_28 = arith.constant 0 : index
    %get3A_29 = arith.constant 0 : index
    %get3A_30 = vector.load %arg4[%get3A_28, %get3A_29] : memref<128x192xf32, #tpu.memory_space<vmem>>, vector<128x192xf32>
    %dot_general3A = arith.constant dense<0.000000e+00> : vector<512x192xf32>
    %dot_general3A_31 = tpu.matmul %sub3A, %get3A_30, %dot_general3A {dimension_numbers = #tpu.dot_dimension_numbers<[1], [0], [0], [1], [0, 0, 1, 1], [], []>, transpose_lhs_hint = false} : vector<512x128xf32>, vector<128x192xf32>, vector<512x192xf32> -> vector<512x192xf32>
    %get3A_32 = arith.constant 0 : index
    %get3A_33 = arith.constant 0 : index
    %get3A_34 = vector.load %arg3[%get3A_32, %get3A_33] : memref<512x128xf32, #tpu.memory_space<vmem>>, vector<512x128xf32>
    %get3A_35 = arith.constant 0 : index
    %get3A_36 = arith.constant 0 : index
    %get3A_37 = vector.load %arg5[%get3A_35, %get3A_36] : memref<128x192xf32, #tpu.memory_space<vmem>>, vector<128x192xf32>
    %dot_general3A_38 = arith.constant dense<0.000000e+00> : vector<512x192xf32>
    %dot_general3A_39 = tpu.matmul %get3A_34, %get3A_37, %dot_general3A_38 {dimension_numbers = #tpu.dot_dimension_numbers<[1], [0], [0], [1], [0, 0, 1, 1], [], []>, transpose_lhs_hint = false} : vector<512x128xf32>, vector<128x192xf32>, vector<512x192xf32> -> vector<512x192xf32>
    %add3A = arith.addf %dot_general3A_31, %dot_general3A_39 : vector<512x192xf32>
    %get3A_40 = arith.constant 0 : index
    %get3A_41 = arith.constant 0 : index
    %get3A_42 = vector.load %arg6[%get3A_40, %get3A_41] : memref<1x192xf32, #tpu.memory_space<vmem>>, vector<1x192xf32>
    %add3A_43 = vector.broadcast %get3A_42 : vector<1x192xf32> to vector<512x192xf32>
    %add3A_44 = arith.addf %add3A, %add3A_43 : vector<512x192xf32>
    %max3A = arith.constant 0.000000e+00 : f32
    %max3A_45 = vector.broadcast %max3A : f32 to vector<512x192xf32>
    %max3A_46 = arith.maximumf %add3A_44, %max3A_45 : vector<512x192xf32>
    %slice3A = vector.extract_strided_slice %max3A_46 {offsets = [0, 0], sizes = [512, 96], strides = [1, 1]} : vector<512x192xf32> to vector<512x96xf32>
    %swap3A = arith.constant 0 : index
    %swap3A_47 = arith.constant 0 : index
    %swap3A_48 = arith.constant 0 : index
    %swap3A_49 = vector.load %arg7[%swap3A, %swap3A_47, %swap3A_48] : memref<2x512x96xf32, #tpu.memory_space<vmem>>, vector<1x512x96xf32>
    %swap3A_50 = vector.shape_cast %swap3A_49 : vector<1x512x96xf32> to vector<512x96xf32>
    %swap3A_51 = vector.shape_cast %slice3A : vector<512x96xf32> to vector<1x512x96xf32>
    tpu.vector_store %arg7[%swap3A, %swap3A_47, %swap3A_48], %swap3A_51 {strides = array<i32>} : memref<2x512x96xf32, #tpu.memory_space<vmem>>, vector<1x512x96xf32>,
    %slice3A_52 = vector.extract_strided_slice %max3A_46 {offsets = [0, 96], sizes = [512, 96], strides = [1, 1]} : vector<512x192xf32> to vector<512x96xf32>
    %swap3A_53 = arith.constant 1 : index
    %swap3A_54 = arith.constant 0 : index
    %swap3A_55 = arith.constant 0 : index
    %swap3A_56 = vector.load %arg7[%swap3A_53, %swap3A_54, %swap3A_55] : memref<2x512x96xf32, #tpu.memory_space<vmem>>, vector<1x512x96xf32>
    %swap3A_57 = vector.shape_cast %swap3A_56 : vector<1x512x96xf32> to vector<512x96xf32>
    %swap3A_58 = vector.shape_cast %slice3A_52 : vector<512x96xf32> to vector<1x512x96xf32>
    tpu.vector_store %arg7[%swap3A_53, %swap3A_54, %swap3A_55], %swap3A_58 {strides = array<i32>} : memref<2x512x96xf32, #tpu.memory_space<vmem>>, vector<1x512x96xf32>,
    return
  }
  func.func @transform_0(%arg0: i32) -> (i32, i32, i32) {
    %c0_i32 = arith.constant 0 : i32
    %c0_i32_0 = arith.constant 0 : i32
    %c0_i32_1 = arith.constant 0 : i32
    return %c0_i32, %arg0, %c0_i32_0 : i32, i32, i32
  }
  func.func @transform_1(%arg0: i32) -> (i32, i32) {
    %c0_i32 = arith.constant 0 : i32
    %c0_i32_0 = arith.constant 0 : i32
    return %arg0, %c0_i32 : i32, i32
  }
  func.func @transform_2(%arg0: i32) -> (i32, i32) {
    %c0_i32 = arith.constant 0 : i32
    %c0_i32_0 = arith.constant 0 : i32
    return %arg0, %c0_i32 : i32, i32
  }
  func.func @transform_3(%arg0: i32) -> (i32, i32) {
    %c0_i32 = arith.constant 0 : i32
    %c0_i32_0 = arith.constant 0 : i32
    %c0_i32_1 = arith.constant 0 : i32
    return %c0_i32, %c0_i32_0 : i32, i32
  }
  func.func @transform_4(%arg0: i32) -> (i32, i32) {
    %c0_i32 = arith.constant 0 : i32
    %c0_i32_0 = arith.constant 0 : i32
    %c0_i32_1 = arith.constant 0 : i32
    return %c0_i32, %c0_i32_0 : i32, i32
  }
  func.func @transform_5(%arg0: i32) -> (i32, i32) {
    %c0_i32 = arith.constant 0 : i32
    %c0_i32_0 = arith.constant 0 : i32
    %c0_i32_1 = arith.constant 0 : i32
    return %c0_i32, %c0_i32_0 : i32, i32
  }
  func.func @transform_6(%arg0: i32) -> (i32, i32, i32) {
    %c0_i32 = arith.constant 0 : i32
    %c0_i32_0 = arith.constant 0 : i32
    %c0_i32_1 = arith.constant 0 : i32
    return %c0_i32, %arg0, %c0_i32_0 : i32, i32, i32
  }
}

module attributes {stable_mosaic.version = 14 : i64} {
  func.func @_tc_layer_body(%arg0: i32, %arg1: memref<2x512x96xf32, #tpu.memory_space<vmem>>, %arg2: memref<2x512x96xf32, #tpu.memory_space<vmem>>, %arg3: memref<512x1xf32, #tpu.memory_space<vmem>>, %arg4: memref<512x128xf32, #tpu.memory_space<vmem>>, %arg5: memref<192x192xf32, #tpu.memory_space<vmem>>, %arg6: memref<128x192xf32, #tpu.memory_space<vmem>>, %arg7: memref<1x192xf32, #tpu.memory_space<vmem>>, %arg8: memref<2x512x96xf32, #tpu.memory_space<vmem>>) attributes {dimension_semantics = [#tpu.dimension_semantics<arbitrary>], iteration_bounds = array<i64: 20>, scalar_prefetch = 0 : i64, scratch_operands = 0 : i64, tpu.core_type = #tpu.core_type<tc>, window_params = [{transform_indices = @transform_0, window_bounds = array<i64: 2, 512, 96>}, {transform_indices = @transform_1, window_bounds = array<i64: 2, 512, 96>}, {transform_indices = @transform_2, window_bounds = array<i64: 512, 1>}, {transform_indices = @transform_3, window_bounds = array<i64: 512, 128>}, {pipeline_mode = #tpu.pipeline_mode<synchronous>, transform_indices = @transform_4, window_bounds = array<i64: 192, 192>}, {pipeline_mode = #tpu.pipeline_mode<synchronous>, transform_indices = @transform_5, window_bounds = array<i64: 128, 192>}, {pipeline_mode = #tpu.pipeline_mode<synchronous>, transform_indices = @transform_6, window_bounds = array<i64: 1, 192>}, {transform_indices = @transform_7, window_bounds = array<i64: 2, 512, 96>}]} {
    %get3A = arith.constant 0 : index
    %get3A_0 = arith.constant 0 : index
    %get3A_1 = arith.constant 0 : index
    %get3A_2 = vector.load %arg1[%get3A, %get3A_0, %get3A_1] : memref<2x512x96xf32, #tpu.memory_space<vmem>>, vector<1x512x96xf32>
    %get3A_3 = vector.shape_cast %get3A_2 : vector<1x512x96xf32> to vector<512x96xf32>
    %get3A_4 = arith.constant 1 : index
    %get3A_5 = arith.constant 0 : index
    %get3A_6 = arith.constant 0 : index
    %get3A_7 = vector.load %arg1[%get3A_4, %get3A_5, %get3A_6] : memref<2x512x96xf32, #tpu.memory_space<vmem>>, vector<1x512x96xf32>
    %get3A_8 = vector.shape_cast %get3A_7 : vector<1x512x96xf32> to vector<512x96xf32>
    %concatenate3A = tpu.concatenate %get3A_3, %get3A_8 in 1 : vector<512x96xf32>, vector<512x96xf32> -> vector<512x192xf32>
    %get3A_9 = arith.constant 0 : index
    %get3A_10 = arith.constant 0 : index
    %get3A_11 = arith.constant 0 : index
    %get3A_12 = vector.load %arg2[%get3A_9, %get3A_10, %get3A_11] : memref<2x512x96xf32, #tpu.memory_space<vmem>>, vector<1x512x96xf32>
    %get3A_13 = vector.shape_cast %get3A_12 : vector<1x512x96xf32> to vector<512x96xf32>
    %get3A_14 = arith.constant 1 : index
    %get3A_15 = arith.constant 0 : index
    %get3A_16 = arith.constant 0 : index
    %get3A_17 = vector.load %arg2[%get3A_14, %get3A_15, %get3A_16] : memref<2x512x96xf32, #tpu.memory_space<vmem>>, vector<1x512x96xf32>
    %get3A_18 = vector.shape_cast %get3A_17 : vector<1x512x96xf32> to vector<512x96xf32>
    %concatenate3A_19 = tpu.concatenate %get3A_13, %get3A_18 in 1 : vector<512x96xf32>, vector<512x96xf32> -> vector<512x192xf32>
    %get3A_20 = arith.constant 0 : index
    %get3A_21 = arith.constant 0 : index
    %get3A_22 = vector.load %arg3[%get3A_20, %get3A_21] : memref<512x1xf32, #tpu.memory_space<vmem>>, vector<512x1xf32>
    %gt3A = arith.constant 0.000000e+00 : f32
    %gt3A_23 = vector.broadcast %gt3A : f32 to vector<512x1xf32>
    %gt3A_24 = arith.cmpf ogt, %get3A_22, %gt3A_23 : vector<512x1xf32>
    %jit3A = arith.constant 1.000000e+00 : f32
    %broadcast_in_dim3A = vector.broadcast %jit3A : f32 to vector<512x1xf32>
    %select_n3A = arith.select %gt3A_24, %get3A_22, %broadcast_in_dim3A : vector<512x1xi1>, vector<512x1xf32>
    %div3A = arith.constant 1.000000e+00 : f32
    %div3A_25 = vector.broadcast %div3A : f32 to vector<512x1xf32>
    %div3A_26 = arith.divf %div3A_25, %select_n3A : vector<512x1xf32>
    %jit3A_27 = arith.constant 0.000000e+00 : f32
    %broadcast_in_dim3A_28 = vector.broadcast %jit3A_27 : f32 to vector<512x1xf32>
    %select_n3A_29 = arith.select %gt3A_24, %div3A_26, %broadcast_in_dim3A_28 : vector<512x1xi1>, vector<512x1xf32>
    %jit3A_30 = arith.constant 0.000000e+00 : f32
    %broadcast_in_dim3A_31 = vector.shape_cast %gt3A_24 : vector<512x1xi1> to vector<512x1xi1>
    %broadcast_in_dim3A_32 = vector.broadcast %broadcast_in_dim3A_31 : vector<512x1xi1> to vector<512x192xi1>
    %broadcast_in_dim3A_33 = vector.broadcast %jit3A_30 : f32 to vector<512x192xf32>
    %select_n3A_34 = arith.select %broadcast_in_dim3A_32, %concatenate3A, %broadcast_in_dim3A_33 : vector<512x192xi1>, vector<512x192xf32>
    %mul3A = vector.broadcast %select_n3A_29 : vector<512x1xf32> to vector<512x192xf32>
    %mul3A_35 = arith.mulf %mul3A, %concatenate3A_19 : vector<512x192xf32>
    %sub3A = arith.subf %select_n3A_34, %mul3A_35 : vector<512x192xf32>
    %get3A_36 = arith.constant 0 : index
    %get3A_37 = arith.constant 0 : index
    %get3A_38 = vector.load %arg5[%get3A_36, %get3A_37] : memref<192x192xf32, #tpu.memory_space<vmem>>, vector<192x192xf32>
    %dot_general3A = arith.constant dense<0.000000e+00> : vector<512x192xf32>
    %dot_general3A_39 = tpu.matmul %sub3A, %get3A_38, %dot_general3A {dimension_numbers = #tpu.dot_dimension_numbers<[1], [0], [0], [1], [0, 0, 1, 1], [], []>, transpose_lhs_hint = false} : vector<512x192xf32>, vector<192x192xf32>, vector<512x192xf32> -> vector<512x192xf32>
    %get3A_40 = arith.constant 0 : index
    %get3A_41 = arith.constant 0 : index
    %get3A_42 = vector.load %arg4[%get3A_40, %get3A_41] : memref<512x128xf32, #tpu.memory_space<vmem>>, vector<512x128xf32>
    %get3A_43 = arith.constant 0 : index
    %get3A_44 = arith.constant 0 : index
    %get3A_45 = vector.load %arg6[%get3A_43, %get3A_44] : memref<128x192xf32, #tpu.memory_space<vmem>>, vector<128x192xf32>
    %dot_general3A_46 = arith.constant dense<0.000000e+00> : vector<512x192xf32>
    %dot_general3A_47 = tpu.matmul %get3A_42, %get3A_45, %dot_general3A_46 {dimension_numbers = #tpu.dot_dimension_numbers<[1], [0], [0], [1], [0, 0, 1, 1], [], []>, transpose_lhs_hint = false} : vector<512x128xf32>, vector<128x192xf32>, vector<512x192xf32> -> vector<512x192xf32>
    %add3A = arith.addf %dot_general3A_39, %dot_general3A_47 : vector<512x192xf32>
    %get3A_48 = arith.constant 0 : index
    %get3A_49 = arith.constant 0 : index
    %get3A_50 = vector.load %arg7[%get3A_48, %get3A_49] : memref<1x192xf32, #tpu.memory_space<vmem>>, vector<1x192xf32>
    %add3A_51 = vector.broadcast %get3A_50 : vector<1x192xf32> to vector<512x192xf32>
    %add3A_52 = arith.addf %add3A, %add3A_51 : vector<512x192xf32>
    %max3A = arith.constant 0.000000e+00 : f32
    %max3A_53 = vector.broadcast %max3A : f32 to vector<512x192xf32>
    %max3A_54 = arith.maximumf %add3A_52, %max3A_53 : vector<512x192xf32>
    %slice3A = vector.extract_strided_slice %max3A_54 {offsets = [0, 0], sizes = [512, 96], strides = [1, 1]} : vector<512x192xf32> to vector<512x96xf32>
    %swap3A = arith.constant 0 : index
    %swap3A_55 = arith.constant 0 : index
    %swap3A_56 = arith.constant 0 : index
    %swap3A_57 = vector.load %arg8[%swap3A, %swap3A_55, %swap3A_56] : memref<2x512x96xf32, #tpu.memory_space<vmem>>, vector<1x512x96xf32>
    %swap3A_58 = vector.shape_cast %swap3A_57 : vector<1x512x96xf32> to vector<512x96xf32>
    %swap3A_59 = vector.shape_cast %slice3A : vector<512x96xf32> to vector<1x512x96xf32>
    tpu.vector_store %arg8[%swap3A, %swap3A_55, %swap3A_56], %swap3A_59 {strides = array<i32>} : memref<2x512x96xf32, #tpu.memory_space<vmem>>, vector<1x512x96xf32>,
    %slice3A_60 = vector.extract_strided_slice %max3A_54 {offsets = [0, 96], sizes = [512, 96], strides = [1, 1]} : vector<512x192xf32> to vector<512x96xf32>
    %swap3A_61 = arith.constant 1 : index
    %swap3A_62 = arith.constant 0 : index
    %swap3A_63 = arith.constant 0 : index
    %swap3A_64 = vector.load %arg8[%swap3A_61, %swap3A_62, %swap3A_63] : memref<2x512x96xf32, #tpu.memory_space<vmem>>, vector<1x512x96xf32>
    %swap3A_65 = vector.shape_cast %swap3A_64 : vector<1x512x96xf32> to vector<512x96xf32>
    %swap3A_66 = vector.shape_cast %slice3A_60 : vector<512x96xf32> to vector<1x512x96xf32>
    tpu.vector_store %arg8[%swap3A_61, %swap3A_62, %swap3A_63], %swap3A_66 {strides = array<i32>} : memref<2x512x96xf32, #tpu.memory_space<vmem>>, vector<1x512x96xf32>,
    return
  }
  func.func @transform_0(%arg0: i32) -> (i32, i32, i32) {
    %c0_i32 = arith.constant 0 : i32
    %c0_i32_0 = arith.constant 0 : i32
    %c0_i32_1 = arith.constant 0 : i32
    return %c0_i32, %arg0, %c0_i32_0 : i32, i32, i32
  }
  func.func @transform_1(%arg0: i32) -> (i32, i32, i32) {
    %c0_i32 = arith.constant 0 : i32
    %c0_i32_0 = arith.constant 0 : i32
    %c0_i32_1 = arith.constant 0 : i32
    return %c0_i32, %arg0, %c0_i32_0 : i32, i32, i32
  }
  func.func @transform_2(%arg0: i32) -> (i32, i32) {
    %c0_i32 = arith.constant 0 : i32
    %c0_i32_0 = arith.constant 0 : i32
    return %arg0, %c0_i32 : i32, i32
  }
  func.func @transform_3(%arg0: i32) -> (i32, i32) {
    %c0_i32 = arith.constant 0 : i32
    %c0_i32_0 = arith.constant 0 : i32
    return %arg0, %c0_i32 : i32, i32
  }
  func.func @transform_4(%arg0: i32) -> (i32, i32) {
    %c0_i32 = arith.constant 0 : i32
    %c0_i32_0 = arith.constant 0 : i32
    %c0_i32_1 = arith.constant 0 : i32
    return %c0_i32, %c0_i32_0 : i32, i32
  }
  func.func @transform_5(%arg0: i32) -> (i32, i32) {
    %c0_i32 = arith.constant 0 : i32
    %c0_i32_0 = arith.constant 0 : i32
    %c0_i32_1 = arith.constant 0 : i32
    return %c0_i32, %c0_i32_0 : i32, i32
  }
  func.func @transform_6(%arg0: i32) -> (i32, i32) {
    %c0_i32 = arith.constant 0 : i32
    %c0_i32_0 = arith.constant 0 : i32
    %c0_i32_1 = arith.constant 0 : i32
    return %c0_i32, %c0_i32_0 : i32, i32
  }
  func.func @transform_7(%arg0: i32) -> (i32, i32, i32) {
    %c0_i32 = arith.constant 0 : i32
    %c0_i32_0 = arith.constant 0 : i32
    %c0_i32_1 = arith.constant 0 : i32
    return %c0_i32, %arg0, %c0_i32_0 : i32, i32, i32
  }
}

module attributes {stable_mosaic.version = 14 : i64} {
  func.func @_tc_layer_body(%arg0: i32, %arg1: memref<2x512x96xf32, #tpu.memory_space<vmem>>, %arg2: memref<2x512x96xf32, #tpu.memory_space<vmem>>, %arg3: memref<512x1xf32, #tpu.memory_space<vmem>>, %arg4: memref<512x128xf32, #tpu.memory_space<vmem>>, %arg5: memref<192x384xf32, #tpu.memory_space<vmem>>, %arg6: memref<128x384xf32, #tpu.memory_space<vmem>>, %arg7: memref<1x384xf32, #tpu.memory_space<vmem>>, %arg8: memref<384x128xf32, #tpu.memory_space<vmem>>, %arg9: memref<512x128xf32, #tpu.memory_space<vmem>>) attributes {dimension_semantics = [#tpu.dimension_semantics<arbitrary>], iteration_bounds = array<i64: 20>, scalar_prefetch = 0 : i64, scratch_operands = 0 : i64, tpu.core_type = #tpu.core_type<tc>, window_params = [{transform_indices = @transform_0, window_bounds = array<i64: 2, 512, 96>}, {transform_indices = @transform_1, window_bounds = array<i64: 2, 512, 96>}, {transform_indices = @transform_2, window_bounds = array<i64: 512, 1>}, {transform_indices = @transform_3, window_bounds = array<i64: 512, 128>}, {pipeline_mode = #tpu.pipeline_mode<synchronous>, transform_indices = @transform_4, window_bounds = array<i64: 192, 384>}, {pipeline_mode = #tpu.pipeline_mode<synchronous>, transform_indices = @transform_5, window_bounds = array<i64: 128, 384>}, {pipeline_mode = #tpu.pipeline_mode<synchronous>, transform_indices = @transform_6, window_bounds = array<i64: 1, 384>}, {pipeline_mode = #tpu.pipeline_mode<synchronous>, transform_indices = @transform_7, window_bounds = array<i64: 384, 128>}, {transform_indices = @transform_8, window_bounds = array<i64: 512, 128>}]} {
    %get3A = arith.constant 0 : index
    %get3A_0 = arith.constant 0 : index
    %get3A_1 = arith.constant 0 : index
    %get3A_2 = vector.load %arg1[%get3A, %get3A_0, %get3A_1] : memref<2x512x96xf32, #tpu.memory_space<vmem>>, vector<1x512x96xf32>
    %get3A_3 = vector.shape_cast %get3A_2 : vector<1x512x96xf32> to vector<512x96xf32>
    %get3A_4 = arith.constant 1 : index
    %get3A_5 = arith.constant 0 : index
    %get3A_6 = arith.constant 0 : index
    %get3A_7 = vector.load %arg1[%get3A_4, %get3A_5, %get3A_6] : memref<2x512x96xf32, #tpu.memory_space<vmem>>, vector<1x512x96xf32>
    %get3A_8 = vector.shape_cast %get3A_7 : vector<1x512x96xf32> to vector<512x96xf32>
    %concatenate3A = tpu.concatenate %get3A_3, %get3A_8 in 1 : vector<512x96xf32>, vector<512x96xf32> -> vector<512x192xf32>
    %get3A_9 = arith.constant 0 : index
    %get3A_10 = arith.constant 0 : index
    %get3A_11 = arith.constant 0 : index
    %get3A_12 = vector.load %arg2[%get3A_9, %get3A_10, %get3A_11] : memref<2x512x96xf32, #tpu.memory_space<vmem>>, vector<1x512x96xf32>
    %get3A_13 = vector.shape_cast %get3A_12 : vector<1x512x96xf32> to vector<512x96xf32>
    %get3A_14 = arith.constant 1 : index
    %get3A_15 = arith.constant 0 : index
    %get3A_16 = arith.constant 0 : index
    %get3A_17 = vector.load %arg2[%get3A_14, %get3A_15, %get3A_16] : memref<2x512x96xf32, #tpu.memory_space<vmem>>, vector<1x512x96xf32>
    %get3A_18 = vector.shape_cast %get3A_17 : vector<1x512x96xf32> to vector<512x96xf32>
    %concatenate3A_19 = tpu.concatenate %get3A_13, %get3A_18 in 1 : vector<512x96xf32>, vector<512x96xf32> -> vector<512x192xf32>
    %get3A_20 = arith.constant 0 : index
    %get3A_21 = arith.constant 0 : index
    %get3A_22 = vector.load %arg3[%get3A_20, %get3A_21] : memref<512x1xf32, #tpu.memory_space<vmem>>, vector<512x1xf32>
    %gt3A = arith.constant 0.000000e+00 : f32
    %gt3A_23 = vector.broadcast %gt3A : f32 to vector<512x1xf32>
    %gt3A_24 = arith.cmpf ogt, %get3A_22, %gt3A_23 : vector<512x1xf32>
    %jit3A = arith.constant 1.000000e+00 : f32
    %broadcast_in_dim3A = vector.broadcast %jit3A : f32 to vector<512x1xf32>
    %select_n3A = arith.select %gt3A_24, %get3A_22, %broadcast_in_dim3A : vector<512x1xi1>, vector<512x1xf32>
    %div3A = arith.constant 1.000000e+00 : f32
    %div3A_25 = vector.broadcast %div3A : f32 to vector<512x1xf32>
    %div3A_26 = arith.divf %div3A_25, %select_n3A : vector<512x1xf32>
    %jit3A_27 = arith.constant 0.000000e+00 : f32
    %broadcast_in_dim3A_28 = vector.broadcast %jit3A_27 : f32 to vector<512x1xf32>
    %select_n3A_29 = arith.select %gt3A_24, %div3A_26, %broadcast_in_dim3A_28 : vector<512x1xi1>, vector<512x1xf32>
    %jit3A_30 = arith.constant 0.000000e+00 : f32
    %broadcast_in_dim3A_31 = vector.shape_cast %gt3A_24 : vector<512x1xi1> to vector<512x1xi1>
    %broadcast_in_dim3A_32 = vector.broadcast %broadcast_in_dim3A_31 : vector<512x1xi1> to vector<512x192xi1>
    %broadcast_in_dim3A_33 = vector.broadcast %jit3A_30 : f32 to vector<512x192xf32>
    %select_n3A_34 = arith.select %broadcast_in_dim3A_32, %concatenate3A, %broadcast_in_dim3A_33 : vector<512x192xi1>, vector<512x192xf32>
    %mul3A = vector.broadcast %select_n3A_29 : vector<512x1xf32> to vector<512x192xf32>
    %mul3A_35 = arith.mulf %mul3A, %concatenate3A_19 : vector<512x192xf32>
    %sub3A = arith.subf %select_n3A_34, %mul3A_35 : vector<512x192xf32>
    %get3A_36 = arith.constant 0 : index
    %get3A_37 = arith.constant 0 : index
    %get3A_38 = vector.load %arg5[%get3A_36, %get3A_37] : memref<192x384xf32, #tpu.memory_space<vmem>>, vector<192x384xf32>
    %dot_general3A = arith.constant dense<0.000000e+00> : vector<512x384xf32>
    %dot_general3A_39 = tpu.matmul %sub3A, %get3A_38, %dot_general3A {dimension_numbers = #tpu.dot_dimension_numbers<[1], [0], [0], [1], [0, 0, 1, 1], [], []>, transpose_lhs_hint = false} : vector<512x192xf32>, vector<192x384xf32>, vector<512x384xf32> -> vector<512x384xf32>
    %get3A_40 = arith.constant 0 : index
    %get3A_41 = arith.constant 0 : index
    %get3A_42 = vector.load %arg4[%get3A_40, %get3A_41] : memref<512x128xf32, #tpu.memory_space<vmem>>, vector<512x128xf32>
    %get3A_43 = arith.constant 0 : index
    %get3A_44 = arith.constant 0 : index
    %get3A_45 = vector.load %arg6[%get3A_43, %get3A_44] : memref<128x384xf32, #tpu.memory_space<vmem>>, vector<128x384xf32>
    %dot_general3A_46 = arith.constant dense<0.000000e+00> : vector<512x384xf32>
    %dot_general3A_47 = tpu.matmul %get3A_42, %get3A_45, %dot_general3A_46 {dimension_numbers = #tpu.dot_dimension_numbers<[1], [0], [0], [1], [0, 0, 1, 1], [], []>, transpose_lhs_hint = false} : vector<512x128xf32>, vector<128x384xf32>, vector<512x384xf32> -> vector<512x384xf32>
    %add3A = arith.addf %dot_general3A_39, %dot_general3A_47 : vector<512x384xf32>
    %get3A_48 = arith.constant 0 : index
    %get3A_49 = arith.constant 0 : index
    %get3A_50 = vector.load %arg7[%get3A_48, %get3A_49] : memref<1x384xf32, #tpu.memory_space<vmem>>, vector<1x384xf32>
    %add3A_51 = vector.broadcast %get3A_50 : vector<1x384xf32> to vector<512x384xf32>
    %add3A_52 = arith.addf %add3A, %add3A_51 : vector<512x384xf32>
    %max3A = arith.constant 0.000000e+00 : f32
    %max3A_53 = vector.broadcast %max3A : f32 to vector<512x384xf32>
    %max3A_54 = arith.maximumf %add3A_52, %max3A_53 : vector<512x384xf32>
    %get3A_55 = arith.constant 0 : index
    %get3A_56 = arith.constant 0 : index
    %get3A_57 = vector.load %arg8[%get3A_55, %get3A_56] : memref<384x128xf32, #tpu.memory_space<vmem>>, vector<384x128xf32>
    %dot_general3A_58 = arith.constant dense<0.000000e+00> : vector<512x128xf32>
    %dot_general3A_59 = tpu.matmul %max3A_54, %get3A_57, %dot_general3A_58 {dimension_numbers = #tpu.dot_dimension_numbers<[1], [0], [0], [1], [0, 0, 1, 1], [], []>, transpose_lhs_hint = false} : vector<512x384xf32>, vector<384x128xf32>, vector<512x128xf32> -> vector<512x128xf32>
    %swap3A = arith.constant 0 : index
    %swap3A_60 = arith.constant 0 : index
    %swap3A_61 = vector.load %arg9[%swap3A, %swap3A_60] : memref<512x128xf32, #tpu.memory_space<vmem>>, vector<512x128xf32>
    tpu.vector_store %arg9[%swap3A, %swap3A_60], %dot_general3A_59 {strides = array<i32>} : memref<512x128xf32, #tpu.memory_space<vmem>>, vector<512x128xf32>,
    return
  }
  func.func @transform_0(%arg0: i32) -> (i32, i32, i32) {
    %c0_i32 = arith.constant 0 : i32
    %c0_i32_0 = arith.constant 0 : i32
    %c0_i32_1 = arith.constant 0 : i32
    return %c0_i32, %arg0, %c0_i32_0 : i32, i32, i32
  }
  func.func @transform_1(%arg0: i32) -> (i32, i32, i32) {
    %c0_i32 = arith.constant 0 : i32
    %c0_i32_0 = arith.constant 0 : i32
    %c0_i32_1 = arith.constant 0 : i32
    return %c0_i32, %arg0, %c0_i32_0 : i32, i32, i32
  }
  func.func @transform_2(%arg0: i32) -> (i32, i32) {
    %c0_i32 = arith.constant 0 : i32
    %c0_i32_0 = arith.constant 0 : i32
    return %arg0, %c0_i32 : i32, i32
  }
  func.func @transform_3(%arg0: i32) -> (i32, i32) {
    %c0_i32 = arith.constant 0 : i32
    %c0_i32_0 = arith.constant 0 : i32
    return %arg0, %c0_i32 : i32, i32
  }
  func.func @transform_4(%arg0: i32) -> (i32, i32) {
    %c0_i32 = arith.constant 0 : i32
    %c0_i32_0 = arith.constant 0 : i32
    %c0_i32_1 = arith.constant 0 : i32
    return %c0_i32, %c0_i32_0 : i32, i32
  }
  func.func @transform_5(%arg0: i32) -> (i32, i32) {
    %c0_i32 = arith.constant 0 : i32
    %c0_i32_0 = arith.constant 0 : i32
    %c0_i32_1 = arith.constant 0 : i32
    return %c0_i32, %c0_i32_0 : i32, i32
  }
  func.func @transform_6(%arg0: i32) -> (i32, i32) {
    %c0_i32 = arith.constant 0 : i32
    %c0_i32_0 = arith.constant 0 : i32
    %c0_i32_1 = arith.constant 0 : i32
    return %c0_i32, %c0_i32_0 : i32, i32
  }
  func.func @transform_7(%arg0: i32) -> (i32, i32) {
    %c0_i32 = arith.constant 0 : i32
    %c0_i32_0 = arith.constant 0 : i32
    %c0_i32_1 = arith.constant 0 : i32
    return %c0_i32, %c0_i32_0 : i32, i32
  }
  func.func @transform_8(%arg0: i32) -> (i32, i32) {
    %c0_i32 = arith.constant 0 : i32
    %c0_i32_0 = arith.constant 0 : i32
    return %arg0, %c0_i32 : i32, i32
  }
}

</mosaic_0001>

<sc_bundles>
// kernel: kernel.11.cloned.1.call-start
scs
__scs_entry_jumppad:
0x0: {  	(pc) =	sbr.rel $0x88, $3  }
0x1: {  	(tag) =	ssettag $0x0;
	lr =	simm.s32 $0x1  }
0x2: {  	[smem:$0x3F96] =	sst lr;
	_ =	strace $0xD0000000  }
0x3: {  	_ = 	snop  }
0x4: {  	_ = 	snop  }
0x5: {  	_ = 	snop  }
0x6: {  	_ = 	snop  }
0x7: {  	_ = 	snop  }
__scs_overlays_trampoline_lowered:
0x8: {  	[smem:$0x3FA5] =	sst s0  }
0x9: {  	[smem:$0x3FA6] =	sst s1  }
0xa: {  	[smem:$0x3FA7] =	sst s2  }
0xb: {  	[smem:$0x3FA8] =	sst s3  }
0xc: {  	[smem:$0x3FA9] =	sst s4  }
0xd: {  	[smem:$0x3FAA] =	sst s5  }
0xe: {  	[smem:$0x3FAB] =	sst s6  }
0xf: {  	[smem:$0x3FAC] =	sst s7  }
0x10: {  	[smem:$0x3FAD] =	sst s8  }
0x11: {  	[smem:$0x3FAE] =	sst s9;
	s0 =	simm.s32 @!p0 $0x0  }
0x12: {  	s1 =	sld [smem:$0x3F94];
	s0 =	simm.s32 @p0 $0x1  }
0x13: {  	[smem:$0x3FAF] =	sst s0;
	s0 =	simm.s32 @!p1 $0x0  }
0x14: {  	s2 =	sld [smem:$0x3F93];
	s0 =	simm.s32 @p1 $0x1  }
0x15: {  	[smem:$0x3FB0] =	sst s0;
	s0 =	simm.s32 @!p2 $0x0  }
0x16: {  	s3 =	sld [smem:$0x3FDB];
	s0 =	simm.s32 @p2 $0x1  }
0x17: {  	s4 =	simm.s32 $0x1BF5;
	[smem:$0x3FB2] =	sst s0  }
0x18: {  	s0 =	sld [smem:$0x3F95];
	_ =	swait.ge [sflag:s4], $0x0  }
0x19: {  	s7 =	sld [smem:$0x3F96]  }
0x1a: {  	s8 =	sadd.s32 $0xFFFFE003, lr  }
0x1b: {  	s9 =	sadd.s32 $0xFFFFFEF7, lr;
	s5 =	simm.s32 $0xFFFFFFFF;
	p2 =	slt.u32 s8, $0xFFFFF086  }
0x1c: {  	p1 =	slt.u32 s9, $0xF7A;
	s5 =	simm.s32 @!p2 $0x0  }
0x1d: {  	s5 =	simm.s32 @p1 $0x1;
	p0 =	seq.s32 s7, s2  }
0x1e: {  	s7 =	smul.u32 @!p0 $0xF7A, s2;
	p2 =	seq.s32 @!p0 s5, $0x0  }
0x1f: {  	s9 =	smul.u32 $0xF7A, s1;
	s8 =	simm.s32 @!p0 $0x1BF5;
	p2 =	por !p2, p0  }
0x20: {  	[sflag:s8] =	ssyncset.s32 @!p0 $0xFFFFF086;
	s6 =	sadd.s32 @!p0 s3, s7;
	s7 =	simm.s32 @!p0 $0x108  }
0x21: {  	s3 =	sadd.s32 s3, s9;
	s6 =	sadd.s32 @!p0 $0x88, s6;
	s7 =	simm.s32 @p2 $0x1082  }
0x22: {  	[simem:s7], [sflag:s8] =	dma.local @!p0 [hbm:s6], $0xF7A  }
0x23: {  	s9 =	sor.u32 $0xD0000000, s2;
	s6 =	simm.s32 $0x108;
	_ =	swait.ge @!p0 [sflag:s8], $0x0  }
0x24: {  	s3 =	sadd.s32 $0x88, s3;
	s6 =	simm.s32 @!p1 $0x1082;
	[sflag:s4] =	ssyncset.s32 $0xFFFFF086  }
0x25: {  	[simem:s6], [sflag:s4] =	dma.local [hbm:s3], $0xF7A  }
0x26: {  	[smem:$0x3F96] =	sst s1;
	(tag) =	ssettag s2;
	_ =	strace s9  }
0x27: {  	s1 =	sld [smem:$0x3FA6]  }
0x28: {  	s2 =	sld [smem:$0x3FA7]  }
0x29: {  	s4 =	sld [smem:$0x3FA9]  }
0x2a: {  	p0 =	seq.s32 s5, $0x0;
	s5 =	sld [smem:$0x3FAA]  }
0x2b: {  	s6 =	sld [smem:$0x3FAB]  }
0x2c: {  	s7 =	sld [smem:$0x3FAC]  }
0x2d: {  	s3 =	simm.s32 $0x108;
	s8 =	sld [smem:$0x3FAD]  }
0x2e: {  	s3 =	simm.s32 @!p0 $0x1082;
	s9 =	sld [smem:$0x3FAE]  }
0x2f: {  	lr =	sadd.s32 s0, s3;
	s0 =	sld [smem:$0x3FA5]  }
0x30: {  	s3 =	sld [smem:$0x3FA8]  }
0x31: {  	[smem:$0x3FB1] =	sst s10  }
0x32: {  	s10 =	sld [smem:$0x3FAF];
	_ =	sdelay $0x3  }
0x33: {  	p0 =	seq.s32 s10, $0x1;
	s10 =	sld [smem:$0x3FB1];
	_ =	sdelay $0x3  }
0x34: {  	[smem:$0x3FB1] =	sst s10  }
0x35: {  	s10 =	sld [smem:$0x3FB0];
	_ =	sdelay $0x3  }
0x36: {  	p1 =	seq.s32 s10, $0x1;
	s10 =	sld [smem:$0x3FB1];
	_ =	sdelay $0x3  }
0x37: {  	[smem:$0x3FB1] =	sst s10  }
0x38: {  	s10 =	sld [smem:$0x3FB2]  }
0x39: {  	_ = 	snop;
	(pc) =	sbr.ind lr, $3  }
0x3a: {  	_ = 	snop  }
0x3b: {  	_ = 	snop  }
0x3c: {  	p2 =	seq.s32 s10, $0x1;
	s10 =	sld [smem:$0x3FB1]  }
0x3d: {  	_ =	shalt  }
0x3e: {  	_ =	shalt  }
0x3f: {  	_ =	shalt  }
0x40: {  	_ =	shalt  }
0x41: {  	_ =	shalt  }
0x42: {  	_ =	shalt  }
0x43: {  	_ =	shalt  }
0x44: {  	_ =	shalt  }
0x45: {  	_ =	shalt  }
0x46: {  	_ =	shalt  }
0x47: {  	_ =	shalt  }
0x48: {  	_ =	shalt  }
0x49: {  	_ =	shalt  }
0x4a: {  	_ =	shalt  }
0x4b: {  	_ =	shalt  }
0x4c: {  	_ =	shalt  }
0x4d: {  	_ =	shalt  }
0x4e: {  	_ =	shalt  }
0x4f: {  	_ =	shalt  }
0x50: {  	_ =	shalt  }
0x51: {  	_ =	shalt  }
0x52: {  	_ =	shalt  }
0x53: {  	_ =	shalt  }
0x54: {  	_ =	shalt  }
0x55: {  	_ =	shalt  }
0x56: {  	_ =	shalt  }
0x57: {  	_ =	shalt  }
0x58: {  	_ =	shalt  }
0x59: {  	_ =	shalt  }
0x5a: {  	_ =	shalt  }
0x5b: {  	_ =	shalt  }
0x5c: {  	_ =	shalt  }
0x5d: {  	_ =	shalt  }
0x5e: {  	_ =	shalt  }
0x5f: {  	_ =	shalt  }
0x60: {  	_ =	shalt  }
0x61: {  	_ =	shalt  }
0x62: {  	_ =	shalt  }
0x63: {  	_ =	shalt  }
0x64: {  	_ =	shalt  }
0x65: {  	_ =	shalt  }
0x66: {  	_ =	shalt  }
0x67: {  	_ =	shalt  }
0x68: {  	_ =	shalt  }
0x69: {  	_ =	shalt  }
0x6a: {  	_ =	shalt  }
0x6b: {  	_ =	shalt  }
0x6c: {  	_ =	shalt  }
0x6d: {  	_ =	shalt  }
0x6e: {  	_ =	shalt  }
0x6f: {  	_ =	shalt  }
0x70: {  	_ =	shalt  }
0x71: {  	_ =	shalt  }
0x72: {  	_ =	shalt  }
0x73: {  	_ =	shalt  }
0x74: {  	_ =	shalt  }
0x75: {  	_ =	shalt  }
0x76: {  	_ =	shalt  }
0x77: {  	_ =	shalt  }
0x78: {  	_ =	shalt  }
0x79: {  	_ =	shalt  }
0x7a: {  	_ =	shalt  }
0x7b: {  	_ =	shalt  }
0x7c: {  	_ =	shalt  }
0x7d: {  	_ =	shalt  }
0x7e: {  	_ =	shalt  }
0x7f: {  	_ =	shalt  }
0x80: {  	_ =	shalt  }
0x81: {  	_ =	shalt  }
0x82: {  	_ =	shalt  }
0x83: {  	_ =	shalt  }
0x84: {  	_ =	shalt  }
0x85: {  	_ =	shalt  }
0x86: {  	_ =	shalt  }
0x87: {  	_ =	shalt  }
.Lfunc_end0:
.L_simem_size_0:
called_computation.1_lowered:
.L_overlay_start_0:
0x88: {  	s2 =	sld [smem:$0x3FD9]  }
0x89: {  	s3 =	sld [smem:$0x3FFE];
	_ =	sdelay $0x1  }
0x8a: {  	s1 =	srdreg.scid  }
0x8b: {  	s0 =	sand.u32 $0x1, s1  }
0x8c: {  	s17 =	sshll.u32 s0, $0xA;
	s2 =	sadd.s32 s3, s2  }
0x8d: {  	s2 =	sadd.s32 s2, s17  }
0x8e: {  	[smem:$0x3FBD] =	sst s2  }
0x8f: {  	_ = 	snop  }
0x90: {  	s2 =	sld [smem:$0x3FD0];
	(tm) =	ssettm $0x1  }
0x91: {  	s18 =	sld [smem:$0x3FFB];
	_ =	sdelay $0x3  }
0x92: {  	_ =	strace s18  }
0x93: {  	s3 =	sld [smem:$0x3FFC];
	_ =	sdelay $0x3  }
0x94: {  	_ =	strace s3  }
0x95: {  	s3 =	sld [smem:$0x3FFD];
	_ =	sdelay $0x3  }
0x96: {  	_ =	strace s3  }
0x97: {  	_ =	strace $0x8FFFFFFF  }
0x98: {  	s19 =	sld [smem:$0x3FDB];
	_ =	sdelay $0x1  }
0x99: {  	s4 =	simm.s32 $_scs_section_size  }
0x9a: {  	s5 =	simm.s32 $_size__tile_overlayer_lowered;
	s6 =	simm.s32 $_tile_overlayer_lowered  }
0x9b: {  	s22 =	simm.s32 $0x1BFF;
	s21 =	sshll.u32 s6, $0x1;
	s3 =	sadd.s32 s4, s19  }
0x9c: {  	s7 =	simm.s32 $0x0;
	s20 =	sshll.u32 s5, $0x1;
	s5 =	sadd.s32 s21, s3  }
0x9d: {  	[timem:s7], [sflag:s22] =	dma.local [hbm:s5], s20  }
0x9e: {  	_ =	swait.ge [sflag:s22], s20  }
0x9f: {  	s4 =	ssub.s32 $0x0, s20;
	[sflag:s22] =	ssyncset.done $0x0  }
0xa0: {  	[sflag:s22] =	ssyncadd.s32 s4;
	_ =	sdelay $0x1  }
0xa1: {  	s23 =	simm.s32 $0x1B8B  }
0xa2: {  	_ =	swait.ge [sflag:s23], $0x1  }
0xa3: {  	[sflag:s23] =	ssyncset.done $0x0  }
0xa4: {  	s25 =	simm.s32 $0x1B8E;
	s24 =	sld [smem:$0x3FFE];
	[sflag:s23] =	ssyncadd.s32 $0xFFFFFFFF  }
0xa5: {  	s26 =	simm.s32 $execute0_lowered;
	[smem:$0x3FD2] =	sst s25  }
0xa6: {  	s5 =	sshll.u32 s26, $0x1;
	_ =	strace $0x80000049;
	[dreg:$0x1] =	wrdreg $0xFFFFFFFF  }
0xa7: {  	s28 =	simm.s32 $_size_execute0_lowered;
	s3 =	sadd.s32 s3, s5;
	[dreg:$0x0] =	wrdreg $0x0  }
0xa8: {  	s5 =	sshll.u32 s28, $0x1;
	[dreg:$0x2] =	wrdreg s3  }
0xa9: {  	[dreg:$0x3] =	wrdreg s5  }
0xaa: {  	[dreg:$0x4] =	wrdreg $0xC0  }
0xab: {  	_ =	task [dreg:s7], $0x5FFFF  }
0xac: {  	[dreg:$0x1] =	wrdreg $0xFFFFFFFF  }
0xad: {  	[dreg:$0x0] =	wrdreg $0x60  }
0xae: {  	[dreg:$0x2] =	wrdreg s24  }
0xaf: {  	[dreg:$0x3] =	wrdreg s2  }
0xb0: {  	[dreg:$0x4] =	wrdreg $0x100000  }
0xb1: {  	[dreg:$0x5] =	wrdreg $0x9  }
0xb2: {  	_ =	task.clear_ibuf [dreg:s7], $0x6FFFF;
	_ =	strace $0x90000049  }
0xb3: {  	s29 =	simm.s32 $0x9;
	_ =	strace $0x8000004B  }
0xb4: {  	_ =	swait.ge [sflag:s29], $0x1  }
0xb5: {  	[sflag:s29] =	ssyncadd.s32 $0xFFFFFFFF  }
0xb6: {  	_ =	strace $0x9000004B  }
0xb7: {  	_ =	sfence  }
0xb8: {  	s30 =	sld [smem:$0x0];
	_ =	sdelay $0x2  }
0xb9: {  	s31 =	sshll.u32 s1, $0xD;
	s1 =	sshrl.u32 s1, $0x2  }
0xba: {  	s3 =	sand.u32 $0x4000, s31;
	s1 =	sadd.s32 s1, s30  }
0xbb: {  	s0 =	sor.u32 s3, s0;
	s1 =	sshll.u32 s1, $0x11  }
0xbc: {  	s0 =	sor.u32 s1, s0  }
0xbd: {  	s0 =	sadd.s32 $0x8F2B, s0  }
0xbe: {  	[sflag:s0] =	ssyncadd.remote.s32 $0x1  }
0xbf: {  	_ =	sfence.sel $0xFFFF  }
0xc0: {  	[dreg:$0x0] =	wrdreg $0xFFFFFFFF;
	(pc) =	sbr.abs _section_cstart, $3  }
0xc1: {  	[dreg:$0x1] =	wrdreg $0xFFFFFFFF  }
0xc2: {  	_ =	task.clear_ibuf [dreg:s7], $0x2FFFF;
	_ =	strace $0x9FFFFFFF  }
0xc3: {  	(tm) =	ssettm $0x7FFFFFFF  }
tec
execute0_lowered:
.L_overlay_start_1:
0x0: {  	(tag) =	ssettag $0x1  }
0x1: {  	s5 =	rddreg [dreg:$0x0]  }
0x2: {  	s6 =	rddreg [dreg:$0x1];
	s0 =	srdreg.scid  }
0x3: {  	s2 =	rddreg [dreg:$0x2];
	s1 =	stileid.u32;
	s3 =	simm.s32 $0x0  }
0x4: {  	s17 =	simm.s32 $0x1;
	s18 =	simm.s32 $0x2;
	s19 =	simm.s32 $0x9F00  }
0x5: {  	s20 =	simm.s32 $0x9F80;
	s21 =	simm.s32 $0x0;
	s8 =	smul.u32 $0xA00, s1  }
0x6: {  	s4 =	sand.u32 $0x1, s0;
	s0 =	rddreg [dreg:$0x3];
	s10 =	smul.u32 $0xF000, s1  }
0x7: {  	[smem:$0x7FF] =	sst s3;
	s15 =	sshll.u32 s1, $0x6;
	s7 =	smul.u32 $0xF0000, s4  }
0x8: {  	_ =	strace $0x8000004A;
	s12 =	ssub.s32 $0x2, s4;
	s4 =	sadd.s32 $0x2800, s5  }
0x9: {  	s15 =	sor.u32 $0x1C03, s15;
	s11 =	sadd.s32 s8, s5;
	s13 =	sshrl.u32 s12, $0x1  }
0xa: {  	s6 =	sadd.s32 s6, s8;
	s16 =	sadd.s32 s10, s2;
	s9 =	sshrl.u32 s7, $0x3  }
0xb: {  	s7 =	sadd.s32 s10, s7;
	s12 =	ssub.s32 s12, s13;
	s10 =	simm.s32 $0x3  }
0xc: {  	s13 =	simm.s32 $0xA000;
	s16 =	sshrl.u32 s16, $0x3;
	s7 =	sshrl.u32 s7, $0x3  }
0xd: {  	s9 =	sadd.s32 s9, s5;
	s14 =	sadd.s32 s7, s5;
	s5 =	sadd.s32 $0x2A800, s11  }
0xe: {  	s7 =	sadd.s32 $0x84800, s9;
	s9 =	smax.u32 s12, $0x1;
	s11 =	simm.s32 $0x5000  }
0xf: {  	s12 =	simm.s32 $0x80;
	s8 =	sadd.s32 $0xC0800, s14;
	s14 =	simm.s32 $0xD000  }
.LBB2_1:
0x10: {  	[tilespmem:s3], [sflag:$0x3] =	stream.linear.gather [hbm4b:s5+s3], $0x5000, $0x38;
	[tilespmem:$0x1F000] =	vst v63  }
0x11: {  	_ =	swait.ge [sflag:s10], $0x5000  }
0x12: {  	[sflag:s10] =	ssyncset.done $0x0  }
0x13: {  	[sflag:s10] =	ssyncadd.s32 $0xFFFFB000  }
0x14: {  	[tilespmem:s11], [sflag:$0x3] =	stream.linear.gather [hbm4b:s6+s3], $0x5000, $0x38;
	[tilespmem:$0x1F000] =	vst v63  }
0x15: {  	_ =	swait.ge [sflag:s10], $0x5000  }
0x16: {  	[sflag:s10] =	ssyncset.done $0x0  }
0x17: {  	[sflag:s10] =	ssyncadd.s32 $0xFFFFB000  }
0x18: {  	[tilespmem:s13], [sflag:$0x1] =	stream.indirect.gather [hbm4b:s7+s12], $0x60, s3, s12, $0xb8;
	[tilespmem:$0x1F000] =	vst v63  }
0x19: {  	_ = 	snop  }
0x1a: {  	[tilespmem:s14], [sflag:$0x2] =	stream.indirect.gather [hbm4b:s7+s12], $0x60, s12, s12, $0xb8;
	[tilespmem:$0x1F000] =	vst v63  }
0x1b: {  	[spmem:s16], [sflag:s15] =	dma.local [hbm:s4], $0x1E00  }
0x1c: {  	_ =	swait.ge [sflag:s10], $0x1E00  }
0x1d: {  	[sflag:s10] =	ssyncset.done $0x0  }
0x1e: {  	[sflag:s10] =	ssyncadd.s32 $0xFFFFE200  }
0x1f: {  	[bflag:$0x0] =	sbarrier.arrive $0xFFFF  }
0x20: {  	_ =	swait.ge [sflag:s17], $0x3000  }
0x21: {  	[sflag:s17] =	ssyncset.done $0x0  }
0x22: {  	s22 =	simm.s32 $0x5000;
	[sflag:s17] =	ssyncadd.s32 $0xFFFFD000  }
0x23: {  	[spmem:s2] =	stream.indirect.scatter.add.f32 [tilespmem:s13], [sflag:$0x3], $0x60, s22, s12, $0xb8;
	[tilespmem:$0x1F000] =	vst v63  }
0x24: {  	_ =	swait.ge [sflag:s10], $0x3000  }
0x25: {  	[sflag:s10] =	ssyncset.done $0x0  }
0x26: {  	s30 =	simm.s32 $0x100;
	[sflag:s10] =	ssyncadd.s32 $0xFFFFD000  }
0x27: {  	[tilespmem:s13], [sflag:$0x1] =	stream.indirect.gather [hbm4b:s7+s12], $0x60, s30, s12, $0xb8;
	[tilespmem:$0x1F000] =	vst v63  }
0x28: {  	_ =	swait.ge [sflag:s18], $0x3000  }
0x29: {  	[sflag:s18] =	ssyncset.done $0x0  }
0x2a: {  	s31 =	simm.s32 $0x5080;
	[sflag:s18] =	ssyncadd.s32 $0xFFFFD000  }
0x2b: {  	[spmem:s2] =	stream.indirect.scatter.add.f32 [tilespmem:s14], [sflag:$0x3], $0x60, s31, s12, $0xb8;
	[tilespmem:$0x1F000] =	vst v63  }
0x2c: {  	_ =	swait.ge [sflag:s10], $0x3000  }
0x2d: {  	[sflag:s10] =	ssyncset.done $0x0  }
0x2e: {  	s23 =	simm.s32 $0x180;
	s22 =	simm.s32 $0x400;
	[sflag:s10] =	ssyncadd.s32 $0xFFFFD000  }
.LBB2_2:
0x2f: {  	[tilespmem:s14], [sflag:$0x2] =	stream.indirect.gather [hbm4b:s7+s12], $0x60, s23, s12, $0xb8;
	[tilespmem:$0x1F000] =	vst v63  }
0x30: {  	s23 =	smov.u32 s22  }
0x31: {  	p0 =	sne.s32 s22, $0x13800;
	s22 =	sadd.s32 $0x400, s22;
	_ =	swait.ge [sflag:s17], $0x3000  }
0x32: {  	s23 =	sshra.s32 s23, $0x2;
	[sflag:s17] =	ssyncset.done $0x0  }
0x33: {  	s24 =	sadd.s32 $0x5000, s23;
	[sflag:s17] =	ssyncadd.s32 $0xFFFFD000  }
0x34: {  	[spmem:s2] =	stream.indirect.scatter.add.f32 [tilespmem:s13], [sflag:$0x3], $0x60, s24, s12, $0xb8;
	[tilespmem:$0x1F000] =	vst v63  }
0x35: {  	_ =	swait.ge [sflag:s10], $0x3000  }
0x36: {  	[sflag:s10] =	ssyncset.done $0x0  }
0x37: {  	s24 =	sadd.s32 $0x100, s23;
	[sflag:s10] =	ssyncadd.s32 $0xFFFFD000  }
0x38: {  	[tilespmem:s13], [sflag:$0x1] =	stream.indirect.gather [hbm4b:s7+s12], $0x60, s24, s12, $0xb8;
	[tilespmem:$0x1F000] =	vst v63  }
0x39: {  	_ =	swait.ge [sflag:s18], $0x3000  }
0x3a: {  	[sflag:s18] =	ssyncset.done $0x0  }
.Ltmp0:
0x3b: {  	s24 =	sadd.s32 $0x5080, s23;
	[sflag:s18] =	ssyncadd.s32 $0xFFFFD000;
	(pc) =	sbr.rel @p0 .LBB2_2-.Ltmp0, $4  }
0x3c: {  	[spmem:s2] =	stream.indirect.scatter.add.f32 [tilespmem:s14], [sflag:$0x3], $0x60, s24, s12, $0xb8;
	[tilespmem:$0x1F000] =	vst v63  }
0x3d: {  	_ =	swait.ge [sflag:s10], $0x3000  }
0x3e: {  	[sflag:s10] =	ssyncset.done $0x0  }
0x3f: {  	s23 =	sadd.s32 $0x180, s23;
	[sflag:s10] =	ssyncadd.s32 $0xFFFFD000  }
0x40: {  	[tilespmem:s14], [sflag:$0x2] =	stream.indirect.gather [hbm4b:s7+s12], $0x60, s23, s12, $0xb8;
	[tilespmem:$0x1F000] =	vst v63  }
0x41: {  	_ =	swait.ge [sflag:s17], $0x3000  }
0x42: {  	[sflag:s17] =	ssyncset.done $0x0  }
0x43: {  	[sflag:s17] =	ssyncadd.s32 $0xFFFFD000  }
0x44: {  	[spmem:s2] =	stream.indirect.scatter.add.f32 [tilespmem:s13], [sflag:$0x3], $0x60, s19, s12, $0xb8;
	[tilespmem:$0x1F000] =	vst v63  }
0x45: {  	_ =	swait.ge [sflag:s10], $0x3000  }
0x46: {  	[sflag:s10] =	ssyncset.done $0x0  }
0x47: {  	[sflag:s10] =	ssyncadd.s32 $0xFFFFD000  }
0x48: {  	_ =	swait.ge [sflag:s18], $0x3000  }
0x49: {  	[sflag:s18] =	ssyncset.done $0x0  }
0x4a: {  	[sflag:s18] =	ssyncadd.s32 $0xFFFFD000  }
0x4b: {  	[spmem:s2] =	stream.indirect.scatter.add.f32 [tilespmem:s14], [sflag:$0x3], $0x60, s20, s12, $0xb8;
	[tilespmem:$0x1F000] =	vst v63  }
0x4c: {  	_ =	swait.ge [sflag:s10], $0x3000  }
0x4d: {  	s21 =	sadd.s32 $0x1, s21;
	[sflag:s10] =	ssyncset.done $0x0  }
0x4e: {  	p0 =	sne.s32 s21, s9;
	[sflag:s10] =	ssyncadd.s32 $0xFFFFD000  }
.Ltmp1:
0x4f: {  	[bflag:$0x0] =	sbarrier.arrive $0xFFFF;
	(pc) =	sbr.rel @p0 .LBB2_1-.Ltmp1, $4  }
0x50: {  	[hbm:s8], [sflag:s15] =	dma.local [spmem:s16], $0x1E00  }
0x51: {  	_ =	swait.ge [sflag:s10], $0x1E00  }
0x52: {  	[sflag:s10] =	ssyncset.done $0x0  }
0x53: {  	[sflag:s10] =	ssyncadd.s32 $0xFFFFE200  }
0x54: {  	_ =	sfence.sel $0x180000  }
0x55: {  	[bflag:$0x0] =	sbarrier.arrive $0xFFFF  }
0x56: {  	p0 =	sne.s32 s1, $0x0;
	_ =	strace $0x9000004A  }
0x57: {  	s0 =	sadd.s32 @!p0 $0x100000, s0;
	[bflag:$0x2] =	sbarrier.arrive $0xFFFF  }
0x58: {  	[sflag:s0] =	ssyncadd.tile.s32 @!p0 $0x1;
	_ =	shalt  }
.Lfunc_end2:
_tile_overlayer_lowered:
.L_overlay_start_2:
0x59: {  	(tag) =	ssettag $0x2  }
0x5a: {  	s0 =	rddreg [dreg:$0x0];
	s2 =	stileid.u32  }
0x5b: {  	s1 =	rddreg [dreg:$0x1];
	p0 =	sne.s32 s2, $0x0  }
0x5c: {  	s3 =	rddreg [dreg:$0x2];
	[bflag:$0x3] =	sbarrier.arrive $0xFFFF;
	s2 =	simm.s32 @!p0 $0x1C03  }
0x5d: {  	[timem:s3], [sflag:s2] =	dma.local @!p0 [hbm:s0], s1  }
0x5e: {  	s0 =	simm.s32 @!p0 $0x3  }
0x5f: {  	_ =	swait.ge @!p0 [sflag:s0], s1  }
0x60: {  	s1 =	ssub.s32 @!p0 $0x0, s1;
	[sflag:s0] =	ssyncset.done @!p0 $0x0  }
0x61: {  	[sflag:s0] =	ssyncadd.s32 @!p0 s1  }
0x62: {  	[bflag:$0x3] =	sbarrier.arrive $0xFFFF  }
0x63: {  	_ =	shalt  }

// kernel: kernel.14.cloned.1.call-start
scs
__scs_entry_jumppad:
0x0: {  	(pc) =	sbr.rel $0x88, $3  }
0x1: {  	(tag) =	ssettag $0x0;
	lr =	simm.s32 $0x1  }
0x2: {  	[smem:$0x3F96] =	sst lr;
	_ =	strace $0xD0000000  }
0x3: {  	_ = 	snop  }
0x4: {  	_ = 	snop  }
0x5: {  	_ = 	snop  }
0x6: {  	_ = 	snop  }
0x7: {  	_ = 	snop  }
__scs_overlays_trampoline_lowered:
0x8: {  	[smem:$0x3FA5] =	sst s0  }
0x9: {  	[smem:$0x3FA6] =	sst s1  }
0xa: {  	[smem:$0x3FA7] =	sst s2  }
0xb: {  	[smem:$0x3FA8] =	sst s3  }
0xc: {  	[smem:$0x3FA9] =	sst s4  }
0xd: {  	[smem:$0x3FAA] =	sst s5  }
0xe: {  	[smem:$0x3FAB] =	sst s6  }
0xf: {  	[smem:$0x3FAC] =	sst s7  }
0x10: {  	[smem:$0x3FAD] =	sst s8  }
0x11: {  	[smem:$0x3FAE] =	sst s9;
	s0 =	simm.s32 @!p0 $0x0  }
0x12: {  	s1 =	sld [smem:$0x3F94];
	s0 =	simm.s32 @p0 $0x1  }
0x13: {  	[smem:$0x3FAF] =	sst s0;
	s0 =	simm.s32 @!p1 $0x0  }
0x14: {  	s2 =	sld [smem:$0x3F93];
	s0 =	simm.s32 @p1 $0x1  }
0x15: {  	[smem:$0x3FB0] =	sst s0;
	s0 =	simm.s32 @!p2 $0x0  }
0x16: {  	s3 =	sld [smem:$0x3FDB];
	s0 =	simm.s32 @p2 $0x1  }
0x17: {  	s4 =	simm.s32 $0x1BF5;
	[smem:$0x3FB2] =	sst s0  }
0x18: {  	s0 =	sld [smem:$0x3F95];
	_ =	swait.ge [sflag:s4], $0x0  }
0x19: {  	s7 =	sld [smem:$0x3F96]  }
0x1a: {  	s8 =	sadd.s32 $0xFFFFE003, lr  }
0x1b: {  	s9 =	sadd.s32 $0xFFFFFEF7, lr;
	s5 =	simm.s32 $0xFFFFFFFF;
	p2 =	slt.u32 s8, $0xFFFFF086  }
0x1c: {  	p1 =	slt.u32 s9, $0xF7A;
	s5 =	simm.s32 @!p2 $0x0  }
0x1d: {  	s5 =	simm.s32 @p1 $0x1;
	p0 =	seq.s32 s7, s2  }
0x1e: {  	s7 =	smul.u32 @!p0 $0xF7A, s2;
	p2 =	seq.s32 @!p0 s5, $0x0  }
0x1f: {  	s9 =	smul.u32 $0xF7A, s1;
	s8 =	simm.s32 @!p0 $0x1BF5;
	p2 =	por !p2, p0  }
0x20: {  	[sflag:s8] =	ssyncset.s32 @!p0 $0xFFFFF086;
	s6 =	sadd.s32 @!p0 s3, s7;
	s7 =	simm.s32 @!p0 $0x108  }
0x21: {  	s3 =	sadd.s32 s3, s9;
	s6 =	sadd.s32 @!p0 $0x88, s6;
	s7 =	simm.s32 @p2 $0x1082  }
0x22: {  	[simem:s7], [sflag:s8] =	dma.local @!p0 [hbm:s6], $0xF7A  }
0x23: {  	s9 =	sor.u32 $0xD0000000, s2;
	s6 =	simm.s32 $0x108;
	_ =	swait.ge @!p0 [sflag:s8], $0x0  }
0x24: {  	s3 =	sadd.s32 $0x88, s3;
	s6 =	simm.s32 @!p1 $0x1082;
	[sflag:s4] =	ssyncset.s32 $0xFFFFF086  }
0x25: {  	[simem:s6], [sflag:s4] =	dma.local [hbm:s3], $0xF7A  }
0x26: {  	[smem:$0x3F96] =	sst s1;
	(tag) =	ssettag s2;
	_ =	strace s9  }
0x27: {  	s1 =	sld [smem:$0x3FA6]  }
0x28: {  	s2 =	sld [smem:$0x3FA7]  }
0x29: {  	s4 =	sld [smem:$0x3FA9]  }
0x2a: {  	p0 =	seq.s32 s5, $0x0;
	s5 =	sld [smem:$0x3FAA]  }
0x2b: {  	s6 =	sld [smem:$0x3FAB]  }
0x2c: {  	s7 =	sld [smem:$0x3FAC]  }
0x2d: {  	s3 =	simm.s32 $0x108;
	s8 =	sld [smem:$0x3FAD]  }
0x2e: {  	s3 =	simm.s32 @!p0 $0x1082;
	s9 =	sld [smem:$0x3FAE]  }
0x2f: {  	lr =	sadd.s32 s0, s3;
	s0 =	sld [smem:$0x3FA5]  }
0x30: {  	s3 =	sld [smem:$0x3FA8]  }
0x31: {  	[smem:$0x3FB1] =	sst s10  }
0x32: {  	s10 =	sld [smem:$0x3FAF];
	_ =	sdelay $0x3  }
0x33: {  	p0 =	seq.s32 s10, $0x1;
	s10 =	sld [smem:$0x3FB1];
	_ =	sdelay $0x3  }
0x34: {  	[smem:$0x3FB1] =	sst s10  }
0x35: {  	s10 =	sld [smem:$0x3FB0];
	_ =	sdelay $0x3  }
0x36: {  	p1 =	seq.s32 s10, $0x1;
	s10 =	sld [smem:$0x3FB1];
	_ =	sdelay $0x3  }
0x37: {  	[smem:$0x3FB1] =	sst s10  }
0x38: {  	s10 =	sld [smem:$0x3FB2]  }
0x39: {  	_ = 	snop;
	(pc) =	sbr.ind lr, $3  }
0x3a: {  	_ = 	snop  }
0x3b: {  	_ = 	snop  }
0x3c: {  	p2 =	seq.s32 s10, $0x1;
	s10 =	sld [smem:$0x3FB1]  }
0x3d: {  	_ =	shalt  }
0x3e: {  	_ =	shalt  }
0x3f: {  	_ =	shalt  }
0x40: {  	_ =	shalt  }
0x41: {  	_ =	shalt  }
0x42: {  	_ =	shalt  }
0x43: {  	_ =	shalt  }
0x44: {  	_ =	shalt  }
0x45: {  	_ =	shalt  }
0x46: {  	_ =	shalt  }
0x47: {  	_ =	shalt  }
0x48: {  	_ =	shalt  }
0x49: {  	_ =	shalt  }
0x4a: {  	_ =	shalt  }
0x4b: {  	_ =	shalt  }
0x4c: {  	_ =	shalt  }
0x4d: {  	_ =	shalt  }
0x4e: {  	_ =	shalt  }
0x4f: {  	_ =	shalt  }
0x50: {  	_ =	shalt  }
0x51: {  	_ =	shalt  }
0x52: {  	_ =	shalt  }
0x53: {  	_ =	shalt  }
0x54: {  	_ =	shalt  }
0x55: {  	_ =	shalt  }
0x56: {  	_ =	shalt  }
0x57: {  	_ =	shalt  }
0x58: {  	_ =	shalt  }
0x59: {  	_ =	shalt  }
0x5a: {  	_ =	shalt  }
0x5b: {  	_ =	shalt  }
0x5c: {  	_ =	shalt  }
0x5d: {  	_ =	shalt  }
0x5e: {  	_ =	shalt  }
0x5f: {  	_ =	shalt  }
0x60: {  	_ =	shalt  }
0x61: {  	_ =	shalt  }
0x62: {  	_ =	shalt  }
0x63: {  	_ =	shalt  }
0x64: {  	_ =	shalt  }
0x65: {  	_ =	shalt  }
0x66: {  	_ =	shalt  }
0x67: {  	_ =	shalt  }
0x68: {  	_ =	shalt  }
0x69: {  	_ =	shalt  }
0x6a: {  	_ =	shalt  }
0x6b: {  	_ =	shalt  }
0x6c: {  	_ =	shalt  }
0x6d: {  	_ =	shalt  }
0x6e: {  	_ =	shalt  }
0x6f: {  	_ =	shalt  }
0x70: {  	_ =	shalt  }
0x71: {  	_ =	shalt  }
0x72: {  	_ =	shalt  }
0x73: {  	_ =	shalt  }
0x74: {  	_ =	shalt  }
0x75: {  	_ =	shalt  }
0x76: {  	_ =	shalt  }
0x77: {  	_ =	shalt  }
0x78: {  	_ =	shalt  }
0x79: {  	_ =	shalt  }
0x7a: {  	_ =	shalt  }
0x7b: {  	_ =	shalt  }
0x7c: {  	_ =	shalt  }
0x7d: {  	_ =	shalt  }
0x7e: {  	_ =	shalt  }
0x7f: {  	_ =	shalt  }
0x80: {  	_ =	shalt  }
0x81: {  	_ =	shalt  }
0x82: {  	_ =	shalt  }
0x83: {  	_ =	shalt  }
0x84: {  	_ =	shalt  }
0x85: {  	_ =	shalt  }
0x86: {  	_ =	shalt  }
0x87: {  	_ =	shalt  }
.Lfunc_end0:
.L_simem_size_0:
called_computation.2_lowered:
.L_overlay_start_0:
0x88: {  	s2 =	sld [smem:$0x3FD9]  }
0x89: {  	s3 =	sld [smem:$0x3FFE];
	_ =	sdelay $0x1  }
0x8a: {  	s1 =	srdreg.scid  }
0x8b: {  	s0 =	sand.u32 $0x1, s1  }
0x8c: {  	s17 =	sshll.u32 s0, $0xA;
	s2 =	sadd.s32 s3, s2  }
0x8d: {  	s2 =	sadd.s32 s2, s17  }
0x8e: {  	[smem:$0x3FBD] =	sst s2  }
0x8f: {  	_ = 	snop  }
0x90: {  	s2 =	sld [smem:$0x3FD0];
	(tm) =	ssettm $0x1  }
0x91: {  	s18 =	sld [smem:$0x3FFB];
	_ =	sdelay $0x3  }
0x92: {  	_ =	strace s18  }
0x93: {  	s3 =	sld [smem:$0x3FFC];
	_ =	sdelay $0x3  }
0x94: {  	_ =	strace s3  }
0x95: {  	s3 =	sld [smem:$0x3FFD];
	_ =	sdelay $0x3  }
0x96: {  	_ =	strace s3  }
0x97: {  	_ =	strace $0x8FFFFFFF  }
0x98: {  	s19 =	sld [smem:$0x3FDB];
	_ =	sdelay $0x1  }
0x99: {  	s4 =	simm.s32 $_scs_section_size  }
0x9a: {  	s5 =	simm.s32 $_size__tile_overlayer_lowered;
	s6 =	simm.s32 $_tile_overlayer_lowered  }
0x9b: {  	s22 =	simm.s32 $0x1BFF;
	s21 =	sshll.u32 s6, $0x1;
	s3 =	sadd.s32 s4, s19  }
0x9c: {  	s7 =	simm.s32 $0x0;
	s20 =	sshll.u32 s5, $0x1;
	s5 =	sadd.s32 s21, s3  }
0x9d: {  	[timem:s7], [sflag:s22] =	dma.local [hbm:s5], s20  }
0x9e: {  	_ =	swait.ge [sflag:s22], s20  }
0x9f: {  	s4 =	ssub.s32 $0x0, s20;
	[sflag:s22] =	ssyncset.done $0x0  }
0xa0: {  	[sflag:s22] =	ssyncadd.s32 s4;
	_ =	sdelay $0x1  }
0xa1: {  	s23 =	simm.s32 $0x1B8B  }
0xa2: {  	_ =	swait.ge [sflag:s23], $0x1  }
0xa3: {  	[sflag:s23] =	ssyncset.done $0x0  }
0xa4: {  	s25 =	simm.s32 $0x1B8E;
	s24 =	sld [smem:$0x3FFE];
	[sflag:s23] =	ssyncadd.s32 $0xFFFFFFFF  }
0xa5: {  	s26 =	simm.s32 $execute0_lowered;
	[smem:$0x3FD2] =	sst s25  }
0xa6: {  	s5 =	sshll.u32 s26, $0x1;
	_ =	strace $0x8000004C;
	[dreg:$0x1] =	wrdreg $0xFFFFFFFF  }
0xa7: {  	s28 =	simm.s32 $_size_execute0_lowered;
	s3 =	sadd.s32 s3, s5;
	[dreg:$0x0] =	wrdreg $0x0  }
0xa8: {  	s5 =	sshll.u32 s28, $0x1;
	[dreg:$0x2] =	wrdreg s3  }
0xa9: {  	[dreg:$0x3] =	wrdreg s5  }
0xaa: {  	[dreg:$0x4] =	wrdreg $0xC0  }
0xab: {  	_ =	task [dreg:s7], $0x5FFFF  }
0xac: {  	[dreg:$0x1] =	wrdreg $0xFFFFFFFF  }
0xad: {  	[dreg:$0x0] =	wrdreg $0x60  }
0xae: {  	[dreg:$0x2] =	wrdreg s24  }
0xaf: {  	[dreg:$0x3] =	wrdreg s2  }
0xb0: {  	[dreg:$0x4] =	wrdreg $0x100000  }
0xb1: {  	[dreg:$0x5] =	wrdreg $0x9  }
0xb2: {  	_ =	task.clear_ibuf [dreg:s7], $0x6FFFF;
	_ =	strace $0x9000004C  }
0xb3: {  	s29 =	simm.s32 $0x9;
	_ =	strace $0x8000004E  }
0xb4: {  	_ =	swait.ge [sflag:s29], $0x1  }
0xb5: {  	[sflag:s29] =	ssyncadd.s32 $0xFFFFFFFF  }
0xb6: {  	_ =	strace $0x9000004E  }
0xb7: {  	_ =	sfence  }
0xb8: {  	s30 =	sld [smem:$0x0];
	_ =	sdelay $0x2  }
0xb9: {  	s31 =	sshll.u32 s1, $0xD;
	s1 =	sshrl.u32 s1, $0x2  }
0xba: {  	s3 =	sand.u32 $0x4000, s31;
	s1 =	sadd.s32 s1, s30  }
0xbb: {  	s0 =	sor.u32 s3, s0;
	s1 =	sshll.u32 s1, $0x11  }
0xbc: {  	s0 =	sor.u32 s1, s0  }
0xbd: {  	s0 =	sadd.s32 $0x8F2B, s0  }
0xbe: {  	[sflag:s0] =	ssyncadd.remote.s32 $0x1  }
0xbf: {  	_ =	sfence.sel $0xFFFF  }
0xc0: {  	[dreg:$0x0] =	wrdreg $0xFFFFFFFF;
	(pc) =	sbr.abs _section_cstart, $3  }
0xc1: {  	[dreg:$0x1] =	wrdreg $0xFFFFFFFF  }
0xc2: {  	_ =	task.clear_ibuf [dreg:s7], $0x2FFFF;
	_ =	strace $0x9FFFFFFF  }
0xc3: {  	(tm) =	ssettm $0x7FFFFFFF  }
tec
execute0_lowered:
.L_overlay_start_1:
0x0: {  	(tag) =	ssettag $0x1  }
0x1: {  	s5 =	rddreg [dreg:$0x0]  }
0x2: {  	s6 =	rddreg [dreg:$0x1];
	s0 =	srdreg.scid  }
0x3: {  	s2 =	rddreg [dreg:$0x2];
	s1 =	stileid.u32;
	s3 =	simm.s32 $0x0  }
0x4: {  	s17 =	simm.s32 $0x1;
	s18 =	simm.s32 $0x2;
	s19 =	simm.s32 $0x9F00  }
0x5: {  	s20 =	simm.s32 $0x9F80;
	s21 =	simm.s32 $0x0;
	s8 =	smul.u32 $0xA00, s1  }
0x6: {  	s4 =	sand.u32 $0x1, s0;
	s0 =	rddreg [dreg:$0x3];
	s10 =	smul.u32 $0xF000, s1  }
0x7: {  	[smem:$0x7FF] =	sst s3;
	s15 =	sshll.u32 s1, $0x6;
	s7 =	smul.u32 $0xF0000, s4  }
0x8: {  	_ =	strace $0x8000004D;
	s12 =	ssub.s32 $0x2, s4;
	s4 =	sadd.s32 $0x2800, s5  }
0x9: {  	s15 =	sor.u32 $0x1C03, s15;
	s11 =	sadd.s32 s8, s5;
	s13 =	sshrl.u32 s12, $0x1  }
0xa: {  	s6 =	sadd.s32 s6, s8;
	s16 =	sadd.s32 s10, s2;
	s9 =	sshrl.u32 s7, $0x3  }
0xb: {  	s7 =	sadd.s32 s10, s7;
	s12 =	ssub.s32 s12, s13;
	s10 =	simm.s32 $0x3  }
0xc: {  	s13 =	simm.s32 $0xA000;
	s16 =	sshrl.u32 s16, $0x3;
	s7 =	sshrl.u32 s7, $0x3  }
0xd: {  	s9 =	sadd.s32 s9, s5;
	s14 =	sadd.s32 s7, s5;
	s5 =	sadd.s32 $0x2A800, s11  }
0xe: {  	s7 =	sadd.s32 $0x84800, s9;
	s9 =	smax.u32 s12, $0x1;
	s11 =	simm.s32 $0x5000  }
0xf: {  	s12 =	simm.s32 $0x80;
	s8 =	sadd.s32 $0xC0800, s14;
	s14 =	simm.s32 $0xD000  }
.LBB2_1:
0x10: {  	[tilespmem:s3], [sflag:$0x3] =	stream.linear.gather [hbm4b:s5+s3], $0x5000, $0x38;
	[tilespmem:$0x1F000] =	vst v63  }
0x11: {  	_ =	swait.ge [sflag:s10], $0x5000  }
0x12: {  	[sflag:s10] =	ssyncset.done $0x0  }
0x13: {  	[sflag:s10] =	ssyncadd.s32 $0xFFFFB000  }
0x14: {  	[tilespmem:s11], [sflag:$0x3] =	stream.linear.gather [hbm4b:s6+s3], $0x5000, $0x38;
	[tilespmem:$0x1F000] =	vst v63  }
0x15: {  	_ =	swait.ge [sflag:s10], $0x5000  }
0x16: {  	[sflag:s10] =	ssyncset.done $0x0  }
0x17: {  	[sflag:s10] =	ssyncadd.s32 $0xFFFFB000  }
0x18: {  	[tilespmem:s13], [sflag:$0x1] =	stream.indirect.gather [hbm4b:s7+s12], $0x60, s3, s12, $0xb8;
	[tilespmem:$0x1F000] =	vst v63  }
0x19: {  	_ = 	snop  }
0x1a: {  	[tilespmem:s14], [sflag:$0x2] =	stream.indirect.gather [hbm4b:s7+s12], $0x60, s12, s12, $0xb8;
	[tilespmem:$0x1F000] =	vst v63  }
0x1b: {  	[spmem:s16], [sflag:s15] =	dma.local [hbm:s4], $0x1E00  }
0x1c: {  	_ =	swait.ge [sflag:s10], $0x1E00  }
0x1d: {  	[sflag:s10] =	ssyncset.done $0x0  }
0x1e: {  	[sflag:s10] =	ssyncadd.s32 $0xFFFFE200  }
0x1f: {  	[bflag:$0x0] =	sbarrier.arrive $0xFFFF  }
0x20: {  	_ =	swait.ge [sflag:s17], $0x3000  }
0x21: {  	[sflag:s17] =	ssyncset.done $0x0  }
0x22: {  	s22 =	simm.s32 $0x5000;
	[sflag:s17] =	ssyncadd.s32 $0xFFFFD000  }
0x23: {  	[spmem:s2] =	stream.indirect.scatter.add.f32 [tilespmem:s13], [sflag:$0x3], $0x60, s22, s12, $0xb8;
	[tilespmem:$0x1F000] =	vst v63  }
0x24: {  	_ =	swait.ge [sflag:s10], $0x3000  }
0x25: {  	[sflag:s10] =	ssyncset.done $0x0  }
0x26: {  	s30 =	simm.s32 $0x100;
	[sflag:s10] =	ssyncadd.s32 $0xFFFFD000  }
0x27: {  	[tilespmem:s13], [sflag:$0x1] =	stream.indirect.gather [hbm4b:s7+s12], $0x60, s30, s12, $0xb8;
	[tilespmem:$0x1F000] =	vst v63  }
0x28: {  	_ =	swait.ge [sflag:s18], $0x3000  }
0x29: {  	[sflag:s18] =	ssyncset.done $0x0  }
0x2a: {  	s31 =	simm.s32 $0x5080;
	[sflag:s18] =	ssyncadd.s32 $0xFFFFD000  }
0x2b: {  	[spmem:s2] =	stream.indirect.scatter.add.f32 [tilespmem:s14], [sflag:$0x3], $0x60, s31, s12, $0xb8;
	[tilespmem:$0x1F000] =	vst v63  }
0x2c: {  	_ =	swait.ge [sflag:s10], $0x3000  }
0x2d: {  	[sflag:s10] =	ssyncset.done $0x0  }
0x2e: {  	s23 =	simm.s32 $0x180;
	s22 =	simm.s32 $0x400;
	[sflag:s10] =	ssyncadd.s32 $0xFFFFD000  }
.LBB2_2:
0x2f: {  	[tilespmem:s14], [sflag:$0x2] =	stream.indirect.gather [hbm4b:s7+s12], $0x60, s23, s12, $0xb8;
	[tilespmem:$0x1F000] =	vst v63  }
0x30: {  	s23 =	smov.u32 s22  }
0x31: {  	p0 =	sne.s32 s22, $0x13800;
	s22 =	sadd.s32 $0x400, s22;
	_ =	swait.ge [sflag:s17], $0x3000  }
0x32: {  	s23 =	sshra.s32 s23, $0x2;
	[sflag:s17] =	ssyncset.done $0x0  }
0x33: {  	s24 =	sadd.s32 $0x5000, s23;
	[sflag:s17] =	ssyncadd.s32 $0xFFFFD000  }
0x34: {  	[spmem:s2] =	stream.indirect.scatter.add.f32 [tilespmem:s13], [sflag:$0x3], $0x60, s24, s12, $0xb8;
	[tilespmem:$0x1F000] =	vst v63  }
0x35: {  	_ =	swait.ge [sflag:s10], $0x3000  }
0x36: {  	[sflag:s10] =	ssyncset.done $0x0  }
0x37: {  	s24 =	sadd.s32 $0x100, s23;
	[sflag:s10] =	ssyncadd.s32 $0xFFFFD000  }
0x38: {  	[tilespmem:s13], [sflag:$0x1] =	stream.indirect.gather [hbm4b:s7+s12], $0x60, s24, s12, $0xb8;
	[tilespmem:$0x1F000] =	vst v63  }
0x39: {  	_ =	swait.ge [sflag:s18], $0x3000  }
0x3a: {  	[sflag:s18] =	ssyncset.done $0x0  }
.Ltmp0:
0x3b: {  	s24 =	sadd.s32 $0x5080, s23;
	[sflag:s18] =	ssyncadd.s32 $0xFFFFD000;
	(pc) =	sbr.rel @p0 .LBB2_2-.Ltmp0, $4  }
0x3c: {  	[spmem:s2] =	stream.indirect.scatter.add.f32 [tilespmem:s14], [sflag:$0x3], $0x60, s24, s12, $0xb8;
	[tilespmem:$0x1F000] =	vst v63  }
0x3d: {  	_ =	swait.ge [sflag:s10], $0x3000  }
0x3e: {  	[sflag:s10] =	ssyncset.done $0x0  }
0x3f: {  	s23 =	sadd.s32 $0x180, s23;
	[sflag:s10] =	ssyncadd.s32 $0xFFFFD000  }
0x40: {  	[tilespmem:s14], [sflag:$0x2] =	stream.indirect.gather [hbm4b:s7+s12], $0x60, s23, s12, $0xb8;
	[tilespmem:$0x1F000] =	vst v63  }
0x41: {  	_ =	swait.ge [sflag:s17], $0x3000  }
0x42: {  	[sflag:s17] =	ssyncset.done $0x0  }
0x43: {  	[sflag:s17] =	ssyncadd.s32 $0xFFFFD000  }
0x44: {  	[spmem:s2] =	stream.indirect.scatter.add.f32 [tilespmem:s13], [sflag:$0x3], $0x60, s19, s12, $0xb8;
	[tilespmem:$0x1F000] =	vst v63  }
0x45: {  	_ =	swait.ge [sflag:s10], $0x3000  }
0x46: {  	[sflag:s10] =	ssyncset.done $0x0  }
0x47: {  	[sflag:s10] =	ssyncadd.s32 $0xFFFFD000  }
0x48: {  	_ =	swait.ge [sflag:s18], $0x3000  }
0x49: {  	[sflag:s18] =	ssyncset.done $0x0  }
0x4a: {  	[sflag:s18] =	ssyncadd.s32 $0xFFFFD000  }
0x4b: {  	[spmem:s2] =	stream.indirect.scatter.add.f32 [tilespmem:s14], [sflag:$0x3], $0x60, s20, s12, $0xb8;
	[tilespmem:$0x1F000] =	vst v63  }
0x4c: {  	_ =	swait.ge [sflag:s10], $0x3000  }
0x4d: {  	s21 =	sadd.s32 $0x1, s21;
	[sflag:s10] =	ssyncset.done $0x0  }
0x4e: {  	p0 =	sne.s32 s21, s9;
	[sflag:s10] =	ssyncadd.s32 $0xFFFFD000  }
.Ltmp1:
0x4f: {  	[bflag:$0x0] =	sbarrier.arrive $0xFFFF;
	(pc) =	sbr.rel @p0 .LBB2_1-.Ltmp1, $4  }
0x50: {  	[hbm:s8], [sflag:s15] =	dma.local [spmem:s16], $0x1E00  }
0x51: {  	_ =	swait.ge [sflag:s10], $0x1E00  }
0x52: {  	[sflag:s10] =	ssyncset.done $0x0  }
0x53: {  	[sflag:s10] =	ssyncadd.s32 $0xFFFFE200  }
0x54: {  	_ =	sfence.sel $0x180000  }
0x55: {  	[bflag:$0x0] =	sbarrier.arrive $0xFFFF  }
0x56: {  	p0 =	sne.s32 s1, $0x0;
	_ =	strace $0x9000004D  }
0x57: {  	s0 =	sadd.s32 @!p0 $0x100000, s0;
	[bflag:$0x2] =	sbarrier.arrive $0xFFFF  }
0x58: {  	[sflag:s0] =	ssyncadd.tile.s32 @!p0 $0x1;
	_ =	shalt  }
.Lfunc_end2:
_tile_overlayer_lowered:
.L_overlay_start_2:
0x59: {  	(tag) =	ssettag $0x2  }
0x5a: {  	s0 =	rddreg [dreg:$0x0];
	s2 =	stileid.u32  }
0x5b: {  	s1 =	rddreg [dreg:$0x1];
	p0 =	sne.s32 s2, $0x0  }
0x5c: {  	s3 =	rddreg [dreg:$0x2];
	[bflag:$0x3] =	sbarrier.arrive $0xFFFF;
	s2 =	simm.s32 @!p0 $0x1C03  }
0x5d: {  	[timem:s3], [sflag:s2] =	dma.local @!p0 [hbm:s0], s1  }
0x5e: {  	s0 =	simm.s32 @!p0 $0x3  }
0x5f: {  	_ =	swait.ge @!p0 [sflag:s0], s1  }
0x60: {  	s1 =	ssub.s32 @!p0 $0x0, s1;
	[sflag:s0] =	ssyncset.done @!p0 $0x0  }
0x61: {  	[sflag:s0] =	ssyncadd.s32 @!p0 s1  }
0x62: {  	[bflag:$0x3] =	sbarrier.arrive $0xFFFF  }
0x63: {  	_ =	shalt  }

// kernel: kernel.8.cloned.1.call-start
scs
__scs_entry_jumppad:
0x0: {  	(pc) =	sbr.rel $0x88, $3  }
0x1: {  	(tag) =	ssettag $0x0;
	lr =	simm.s32 $0x1  }
0x2: {  	[smem:$0x3F96] =	sst lr;
	_ =	strace $0xD0000000  }
0x3: {  	_ = 	snop  }
0x4: {  	_ = 	snop  }
0x5: {  	_ = 	snop  }
0x6: {  	_ = 	snop  }
0x7: {  	_ = 	snop  }
__scs_overlays_trampoline_lowered:
0x8: {  	[smem:$0x3FA5] =	sst s0  }
0x9: {  	[smem:$0x3FA6] =	sst s1  }
0xa: {  	[smem:$0x3FA7] =	sst s2  }
0xb: {  	[smem:$0x3FA8] =	sst s3  }
0xc: {  	[smem:$0x3FA9] =	sst s4  }
0xd: {  	[smem:$0x3FAA] =	sst s5  }
0xe: {  	[smem:$0x3FAB] =	sst s6  }
0xf: {  	[smem:$0x3FAC] =	sst s7  }
0x10: {  	[smem:$0x3FAD] =	sst s8  }
0x11: {  	[smem:$0x3FAE] =	sst s9;
	s0 =	simm.s32 @!p0 $0x0  }
0x12: {  	s1 =	sld [smem:$0x3F94];
	s0 =	simm.s32 @p0 $0x1  }
0x13: {  	[smem:$0x3FAF] =	sst s0;
	s0 =	simm.s32 @!p1 $0x0  }
0x14: {  	s2 =	sld [smem:$0x3F93];
	s0 =	simm.s32 @p1 $0x1  }
0x15: {  	[smem:$0x3FB0] =	sst s0;
	s0 =	simm.s32 @!p2 $0x0  }
0x16: {  	s3 =	sld [smem:$0x3FDB];
	s0 =	simm.s32 @p2 $0x1  }
0x17: {  	s4 =	simm.s32 $0x1BF5;
	[smem:$0x3FB2] =	sst s0  }
0x18: {  	s0 =	sld [smem:$0x3F95];
	_ =	swait.ge [sflag:s4], $0x0  }
0x19: {  	s7 =	sld [smem:$0x3F96]  }
0x1a: {  	s8 =	sadd.s32 $0xFFFFE003, lr  }
0x1b: {  	s9 =	sadd.s32 $0xFFFFFEF7, lr;
	s5 =	simm.s32 $0xFFFFFFFF;
	p2 =	slt.u32 s8, $0xFFFFF086  }
0x1c: {  	p1 =	slt.u32 s9, $0xF7A;
	s5 =	simm.s32 @!p2 $0x0  }
0x1d: {  	s5 =	simm.s32 @p1 $0x1;
	p0 =	seq.s32 s7, s2  }
0x1e: {  	s7 =	smul.u32 @!p0 $0xF7A, s2;
	p2 =	seq.s32 @!p0 s5, $0x0  }
0x1f: {  	s9 =	smul.u32 $0xF7A, s1;
	s8 =	simm.s32 @!p0 $0x1BF5;
	p2 =	por !p2, p0  }
0x20: {  	[sflag:s8] =	ssyncset.s32 @!p0 $0xFFFFF086;
	s6 =	sadd.s32 @!p0 s3, s7;
	s7 =	simm.s32 @!p0 $0x108  }
0x21: {  	s3 =	sadd.s32 s3, s9;
	s6 =	sadd.s32 @!p0 $0x88, s6;
	s7 =	simm.s32 @p2 $0x1082  }
0x22: {  	[simem:s7], [sflag:s8] =	dma.local @!p0 [hbm:s6], $0xF7A  }
0x23: {  	s9 =	sor.u32 $0xD0000000, s2;
	s6 =	simm.s32 $0x108;
	_ =	swait.ge @!p0 [sflag:s8], $0x0  }
0x24: {  	s3 =	sadd.s32 $0x88, s3;
	s6 =	simm.s32 @!p1 $0x1082;
	[sflag:s4] =	ssyncset.s32 $0xFFFFF086  }
0x25: {  	[simem:s6], [sflag:s4] =	dma.local [hbm:s3], $0xF7A  }
0x26: {  	[smem:$0x3F96] =	sst s1;
	(tag) =	ssettag s2;
	_ =	strace s9  }
0x27: {  	s1 =	sld [smem:$0x3FA6]  }
0x28: {  	s2 =	sld [smem:$0x3FA7]  }
0x29: {  	s4 =	sld [smem:$0x3FA9]  }
0x2a: {  	p0 =	seq.s32 s5, $0x0;
	s5 =	sld [smem:$0x3FAA]  }
0x2b: {  	s6 =	sld [smem:$0x3FAB]  }
0x2c: {  	s7 =	sld [smem:$0x3FAC]  }
0x2d: {  	s3 =	simm.s32 $0x108;
	s8 =	sld [smem:$0x3FAD]  }
0x2e: {  	s3 =	simm.s32 @!p0 $0x1082;
	s9 =	sld [smem:$0x3FAE]  }
0x2f: {  	lr =	sadd.s32 s0, s3;
	s0 =	sld [smem:$0x3FA5]  }
0x30: {  	s3 =	sld [smem:$0x3FA8]  }
0x31: {  	[smem:$0x3FB1] =	sst s10  }
0x32: {  	s10 =	sld [smem:$0x3FAF];
	_ =	sdelay $0x3  }
0x33: {  	p0 =	seq.s32 s10, $0x1;
	s10 =	sld [smem:$0x3FB1];
	_ =	sdelay $0x3  }
0x34: {  	[smem:$0x3FB1] =	sst s10  }
0x35: {  	s10 =	sld [smem:$0x3FB0];
	_ =	sdelay $0x3  }
0x36: {  	p1 =	seq.s32 s10, $0x1;
	s10 =	sld [smem:$0x3FB1];
	_ =	sdelay $0x3  }
0x37: {  	[smem:$0x3FB1] =	sst s10  }
0x38: {  	s10 =	sld [smem:$0x3FB2]  }
0x39: {  	_ = 	snop;
	(pc) =	sbr.ind lr, $3  }
0x3a: {  	_ = 	snop  }
0x3b: {  	_ = 	snop  }
0x3c: {  	p2 =	seq.s32 s10, $0x1;
	s10 =	sld [smem:$0x3FB1]  }
0x3d: {  	_ =	shalt  }
0x3e: {  	_ =	shalt  }
0x3f: {  	_ =	shalt  }
0x40: {  	_ =	shalt  }
0x41: {  	_ =	shalt  }
0x42: {  	_ =	shalt  }
0x43: {  	_ =	shalt  }
0x44: {  	_ =	shalt  }
0x45: {  	_ =	shalt  }
0x46: {  	_ =	shalt  }
0x47: {  	_ =	shalt  }
0x48: {  	_ =	shalt  }
0x49: {  	_ =	shalt  }
0x4a: {  	_ =	shalt  }
0x4b: {  	_ =	shalt  }
0x4c: {  	_ =	shalt  }
0x4d: {  	_ =	shalt  }
0x4e: {  	_ =	shalt  }
0x4f: {  	_ =	shalt  }
0x50: {  	_ =	shalt  }
0x51: {  	_ =	shalt  }
0x52: {  	_ =	shalt  }
0x53: {  	_ =	shalt  }
0x54: {  	_ =	shalt  }
0x55: {  	_ =	shalt  }
0x56: {  	_ =	shalt  }
0x57: {  	_ =	shalt  }
0x58: {  	_ =	shalt  }
0x59: {  	_ =	shalt  }
0x5a: {  	_ =	shalt  }
0x5b: {  	_ =	shalt  }
0x5c: {  	_ =	shalt  }
0x5d: {  	_ =	shalt  }
0x5e: {  	_ =	shalt  }
0x5f: {  	_ =	shalt  }
0x60: {  	_ =	shalt  }
0x61: {  	_ =	shalt  }
0x62: {  	_ =	shalt  }
0x63: {  	_ =	shalt  }
0x64: {  	_ =	shalt  }
0x65: {  	_ =	shalt  }
0x66: {  	_ =	shalt  }
0x67: {  	_ =	shalt  }
0x68: {  	_ =	shalt  }
0x69: {  	_ =	shalt  }
0x6a: {  	_ =	shalt  }
0x6b: {  	_ =	shalt  }
0x6c: {  	_ =	shalt  }
0x6d: {  	_ =	shalt  }
0x6e: {  	_ =	shalt  }
0x6f: {  	_ =	shalt  }
0x70: {  	_ =	shalt  }
0x71: {  	_ =	shalt  }
0x72: {  	_ =	shalt  }
0x73: {  	_ =	shalt  }
0x74: {  	_ =	shalt  }
0x75: {  	_ =	shalt  }
0x76: {  	_ =	shalt  }
0x77: {  	_ =	shalt  }
0x78: {  	_ =	shalt  }
0x79: {  	_ =	shalt  }
0x7a: {  	_ =	shalt  }
0x7b: {  	_ =	shalt  }
0x7c: {  	_ =	shalt  }
0x7d: {  	_ =	shalt  }
0x7e: {  	_ =	shalt  }
0x7f: {  	_ =	shalt  }
0x80: {  	_ =	shalt  }
0x81: {  	_ =	shalt  }
0x82: {  	_ =	shalt  }
0x83: {  	_ =	shalt  }
0x84: {  	_ =	shalt  }
0x85: {  	_ =	shalt  }
0x86: {  	_ =	shalt  }
0x87: {  	_ =	shalt  }
.Lfunc_end0:
.L_simem_size_0:
called_computation_lowered:
.L_overlay_start_0:
0x88: {  	s2 =	sld [smem:$0x3FD9]  }
0x89: {  	s3 =	sld [smem:$0x3FFE];
	_ =	sdelay $0x1  }
0x8a: {  	s1 =	srdreg.scid  }
0x8b: {  	s0 =	sand.u32 $0x1, s1  }
0x8c: {  	s17 =	sshll.u32 s0, $0xA;
	s2 =	sadd.s32 s3, s2  }
0x8d: {  	s2 =	sadd.s32 s2, s17  }
0x8e: {  	[smem:$0x3FBD] =	sst s2  }
0x8f: {  	_ = 	snop  }
0x90: {  	s2 =	sld [smem:$0x3FD0];
	(tm) =	ssettm $0x1  }
0x91: {  	s18 =	sld [smem:$0x3FFB];
	_ =	sdelay $0x3  }
0x92: {  	_ =	strace s18  }
0x93: {  	s3 =	sld [smem:$0x3FFC];
	_ =	sdelay $0x3  }
0x94: {  	_ =	strace s3  }
0x95: {  	s3 =	sld [smem:$0x3FFD];
	_ =	sdelay $0x3  }
0x96: {  	_ =	strace s3  }
0x97: {  	_ =	strace $0x8FFFFFFF  }
0x98: {  	s19 =	sld [smem:$0x3FDB];
	_ =	sdelay $0x1  }
0x99: {  	s4 =	simm.s32 $_scs_section_size  }
0x9a: {  	s5 =	simm.s32 $_size__tile_overlayer_lowered;
	s6 =	simm.s32 $_tile_overlayer_lowered  }
0x9b: {  	s22 =	simm.s32 $0x1BFF;
	s21 =	sshll.u32 s6, $0x1;
	s3 =	sadd.s32 s4, s19  }
0x9c: {  	s7 =	simm.s32 $0x0;
	s20 =	sshll.u32 s5, $0x1;
	s5 =	sadd.s32 s21, s3  }
0x9d: {  	[timem:s7], [sflag:s22] =	dma.local [hbm:s5], s20  }
0x9e: {  	_ =	swait.ge [sflag:s22], s20  }
0x9f: {  	s4 =	ssub.s32 $0x0, s20;
	[sflag:s22] =	ssyncset.done $0x0  }
0xa0: {  	[sflag:s22] =	ssyncadd.s32 s4;
	_ =	sdelay $0x1  }
0xa1: {  	s23 =	simm.s32 $0x1B8B  }
0xa2: {  	_ =	swait.ge [sflag:s23], $0x1  }
0xa3: {  	[sflag:s23] =	ssyncset.done $0x0  }
0xa4: {  	s25 =	simm.s32 $0x1B8E;
	s24 =	sld [smem:$0x3FFE];
	[sflag:s23] =	ssyncadd.s32 $0xFFFFFFFF  }
0xa5: {  	s26 =	simm.s32 $execute0_lowered;
	[smem:$0x3FD2] =	sst s25  }
0xa6: {  	s5 =	sshll.u32 s26, $0x1;
	_ =	strace $0x80000046;
	[dreg:$0x1] =	wrdreg $0xFFFFFFFF  }
0xa7: {  	s28 =	simm.s32 $_size_execute0_lowered;
	s3 =	sadd.s32 s3, s5;
	[dreg:$0x0] =	wrdreg $0x0  }
0xa8: {  	s5 =	sshll.u32 s28, $0x1;
	[dreg:$0x2] =	wrdreg s3  }
0xa9: {  	[dreg:$0x3] =	wrdreg s5  }
0xaa: {  	[dreg:$0x4] =	wrdreg $0xC0  }
0xab: {  	_ =	task [dreg:s7], $0x5FFFF  }
0xac: {  	[dreg:$0x1] =	wrdreg $0xFFFFFFFF  }
0xad: {  	[dreg:$0x0] =	wrdreg $0x60  }
0xae: {  	[dreg:$0x2] =	wrdreg s24  }
0xaf: {  	[dreg:$0x3] =	wrdreg s2  }
0xb0: {  	[dreg:$0x4] =	wrdreg $0x120000  }
0xb1: {  	[dreg:$0x5] =	wrdreg $0x1C0800  }
0xb2: {  	[dreg:$0x6] =	wrdreg $0x9  }
0xb3: {  	_ =	task.clear_ibuf [dreg:s7], $0x7FFFF;
	_ =	strace $0x90000046  }
0xb4: {  	s29 =	simm.s32 $0x9;
	_ =	strace $0x80000048  }
0xb5: {  	_ =	swait.ge [sflag:s29], $0x1  }
0xb6: {  	[sflag:s29] =	ssyncadd.s32 $0xFFFFFFFF  }
0xb7: {  	_ =	strace $0x90000048  }
0xb8: {  	_ =	sfence  }
0xb9: {  	s30 =	sld [smem:$0x0];
	_ =	sdelay $0x2  }
0xba: {  	s31 =	sshll.u32 s1, $0xD;
	s1 =	sshrl.u32 s1, $0x2  }
0xbb: {  	s3 =	sand.u32 $0x4000, s31;
	s1 =	sadd.s32 s1, s30  }
0xbc: {  	s0 =	sor.u32 s3, s0;
	s1 =	sshll.u32 s1, $0x11  }
0xbd: {  	s0 =	sor.u32 s1, s0  }
0xbe: {  	s0 =	sadd.s32 $0x8F2B, s0  }
0xbf: {  	[sflag:s0] =	ssyncadd.remote.s32 $0x1  }
0xc0: {  	_ =	sfence.sel $0xFFFF  }
0xc1: {  	[dreg:$0x0] =	wrdreg $0xFFFFFFFF;
	(pc) =	sbr.abs _section_cstart, $3  }
0xc2: {  	[dreg:$0x1] =	wrdreg $0xFFFFFFFF  }
0xc3: {  	_ =	task.clear_ibuf [dreg:s7], $0x2FFFF;
	_ =	strace $0x9FFFFFFF  }
0xc4: {  	(tm) =	ssettm $0x7FFFFFFF  }
0xc5: {  	_ =	shalt  }
tec
execute0_lowered:
.L_overlay_start_1:
0x0: {  	(tag) =	ssettag $0x1  }
0x1: {  	s0 =	rddreg [dreg:$0x0]  }
0x2: {  	s2 =	rddreg [dreg:$0x1]  }
0x3: {  	s1 =	rddreg [dreg:$0x2];
	s4 =	srdreg.scid  }
0x4: {  	s3 =	rddreg [dreg:$0x3];
	s9 =	stileid.u32;
	s17 =	simm.s32 $0x80  }
0x5: {  	s18 =	simm.s32 $0xA000;
	s19 =	simm.s32 $0xC000;
	s8 =	smul.u32 $0xA00, s9  }
0x6: {  	s21 =	simm.s32 $0xE000;
	s28 =	simm.s32 $0x4;
	s10 =	smul.u32 $0xA000, s9  }
0x7: {  	s31 =	simm.s32 $0x0;
	s5 =	sand.u32 $0x1, s4;
	s11 =	smul.u32 $0x280, s9  }
0x8: {  	s4 =	simm.s32 $0x0;
	s24 =	sadd.s32 $0x34800, s0;
	s7 =	smul.u32 $0xA0000, s5  }
0x9: {  	s25 =	sadd.s32 $0x35C00, s0;
	[smem:$0x7FF] =	sst s4;
	s13 =	smul.u32 $0x2800, s5  }
0xa: {  	s14 =	ssub.s32 $0x2, s5;
	_ =	strace $0x80000047;
	[dreg:$0x5] =	wrdreg s24  }
0xb: {  	p0 =	sne.s32 s5, $0x0;
	s12 =	sadd.s32 s8, s0;
	[dreg:$0x6] =	wrdreg s25  }
0xc: {  	s29 =	sshrl.u32 s14, $0x1;
	s8 =	sadd.s32 s2, s8;
	s24 =	simm.s32 $0x1  }
0xd: {  	s25 =	simm.s32 $0x2;
	s6 =	sshrl.u32 s7, $0x3;
	s7 =	sadd.s32 s10, s7  }
0xe: {  	s13 =	sadd.s32 s11, s13;
	s14 =	ssub.s32 s14, s29;
	s30 =	sadd.s32 $0x2A800, s12  }
0xf: {  	s10 =	sadd.s32 s10, s1;
	s11 =	sadd.s32 s11, s3;
	s23 =	sadd.s32 s6, s0  }
0x10: {  	s7 =	sshrl.u32 s7, $0x3;
	s26 =	sshrl.u32 s13, $0x3;
	[dreg:$0x7] =	wrdreg s30  }
0x11: {  	s14 =	smax.u32 s14, $0x1;
	s15 =	sadd.s32 s7, s0;
	s0 =	sadd.s32 s26, s0  }
0x12: {  	s9 =	sadd.s32 $0x2800, s23;
	s23 =	simm.s32 $0x10000;
	s26 =	simm.s32 $0x3  }
0x13: {  	v0 =	vimm.f32 $1.000000000e+00;
	s12 =	sadd.s32 $0x36800, s15;
	s13 =	sadd.s32 $0x35E00, s0;
	s15 =	simm.s32 $0x5  }
.LBB2_1:
0x14: {  	s0 =	rddreg [dreg:$0x7]  }
0x15: {  	[tilespmem:s4], [sflag:$0x5] =	stream.linear.gather [hbm4b:s0+s4], $0x5000, $0x38;
	[tilespmem:$0x1C300] =	vst v63  }
0x16: {  	_ =	swait.ge [sflag:s15], $0x5000  }
0x17: {  	[sflag:s15] =	ssyncset.done $0x0  }
0x18: {  	s22 =	simm.s32 $0x5000;
	[sflag:s15] =	ssyncadd.s32 $0xFFFFB000  }
0x19: {  	[tilespmem:s22], [sflag:$0x5] =	stream.linear.gather [hbm4b:s8+s4], $0x5000, $0x38;
	[tilespmem:$0x1C300] =	vst v63  }
0x1a: {  	_ =	swait.ge [sflag:s15], $0x5000  }
0x1b: {  	[sflag:s15] =	ssyncset.done $0x0  }
0x1c: {  	[sflag:s15] =	ssyncadd.s32 $0xFFFFB000  }
0x1d: {  	[tilespmem:s18], [sflag:$0x1] =	stream.indirect.gather [hbm4b:s9+s17], $0x40, s4, s17, $0xb8;
	[tilespmem:$0x1C300] =	vst v63  }
0x1e: {  	s6 =	stileid.u32  }
0x1f: {  	[tilespmem:s19], [sflag:$0x2] =	stream.indirect.gather [hbm4b:s9+s17], $0x40, s17, s17, $0xb8;
	[tilespmem:$0x1C300] =	vst v63  }
0x20: {  	s2 =	simm.s32 $0x100;
	s5 =	simm.s32 $0x180;
	s0 =	sshll.u32 s6, $0x6  }
0x21: {  	[tilespmem:s21], [sflag:$0x3] =	stream.indirect.gather [hbm4b:s9+s17], $0x40, s2, s17, $0xb8;
	[tilespmem:$0x1C300] =	vst v63  }
0x22: {  	s16 =	sshrl.u32 s10, $0x3;
	s0 =	sor.u32 $0x1C05, s0;
	s2 =	rddreg [dreg:$0x5]  }
0x23: {  	[tilespmem:s23], [sflag:$0x4] =	stream.indirect.gather [hbm4b:s9+s17], $0x40, s5, s17, $0xb8;
	[tilespmem:$0x1C300] =	vst v63  }
0x24: {  	[spmem:s16], [sflag:s0] =	dma.local [hbm:s2], $0x1400  }
0x25: {  	_ =	swait.ge [sflag:s15], $0x1400  }
0x26: {  	[sflag:s15] =	ssyncset.done $0x0  }
0x27: {  	s2 =	sshrl.u32 s11, $0x3;
	s5 =	rddreg [dreg:$0x6];
	[sflag:s15] =	ssyncadd.s32 $0xFFFFEC00  }
0x28: {  	[spmem:s2], [sflag:s0] =	dma.local [hbm:s5], $0x50  }
0x29: {  	_ =	swait.ge [sflag:s15], $0x50  }
0x2a: {  	[sflag:s15] =	ssyncset.done $0x0  }
0x2b: {  	[sflag:s15] =	ssyncadd.s32 $0xFFFFFFB0  }
0x2c: {  	[tilespmem:$0x1C000] =	vst v0  }
0x2d: {  	[tilespmem:$0x1C010] =	vst v0  }
0x2e: {  	[tilespmem:$0x1C020] =	vst v0  }
0x2f: {  	[tilespmem:$0x1C030] =	vst v0  }
0x30: {  	[tilespmem:$0x1C040] =	vst v0  }
0x31: {  	[tilespmem:$0x1C050] =	vst v0  }
0x32: {  	[tilespmem:$0x1C060] =	vst v0  }
0x33: {  	[tilespmem:$0x1C070] =	vst v0  }
0x34: {  	[bflag:$0x0] =	sbarrier.arrive $0xFFFF  }
0x35: {  	_ =	swait.ge [sflag:s24], $0x2000  }
0x36: {  	[sflag:s24] =	ssyncset.done $0x0  }
0x37: {  	s5 =	simm.s32 $0x5000;
	[sflag:s24] =	ssyncadd.s32 $0xFFFFE000  }
0x38: {  	[spmem:s1] =	stream.indirect.scatter.add.f32 [tilespmem:s18], [sflag:$0x5], $0x40, s5, s17, $0xb8;
	[tilespmem:$0x1C300] =	vst v63  }
0x39: {  	_ =	swait.ge [sflag:s15], $0x2000  }
0x3a: {  	s20 =	simm.s32 @!p0 $0x5;
	[sflag:s15] =	ssyncset.done $0x0  }
0x3b: {  	s29 =	simm.s32 @!p0 $0x1C000;
	s22 =	simm.s32 @!p0 $0x80;
	[sflag:s15] =	ssyncadd.s32 $0xFFFFE000  }
0x3c: {  	[spmem:s3] =	stream.indirect.scatter.add.f32 @!p0 [tilespmem:s29], [sflag:$0x5], $0x1, s5, s22, $0xb8;
	[tilespmem:$0x1C300] =	vst v63  }
0x3d: {  	_ =	swait.ge @!p0 [sflag:s20], $0x80  }
0x3e: {  	[sflag:s20] =	ssyncset.done @!p0 $0x0  }
0x3f: {  	s7 =	simm.s32 $0x200;
	[sflag:s20] =	ssyncadd.s32 @!p0 $0xFFFFFF80  }
0x40: {  	[tilespmem:s18], [sflag:$0x1] =	stream.indirect.gather [hbm4b:s9+s17], $0x40, s7, s17, $0xb8;
	[tilespmem:$0x1C300] =	vst v63  }
0x41: {  	_ =	swait.ge [sflag:s25], $0x2000  }
0x42: {  	[sflag:s25] =	ssyncset.done $0x0  }
0x43: {  	s5 =	simm.s32 $0x5080;
	[sflag:s25] =	ssyncadd.s32 $0xFFFFE000  }
0x44: {  	[spmem:s1] =	stream.indirect.scatter.add.f32 [tilespmem:s19], [sflag:$0x5], $0x40, s5, s17, $0xb8;
	[tilespmem:$0x1C300] =	vst v63  }
0x45: {  	_ =	swait.ge [sflag:s15], $0x2000  }
0x46: {  	[sflag:s15] =	ssyncset.done $0x0  }
0x47: {  	[sflag:s15] =	ssyncadd.s32 $0xFFFFE000  }
0x48: {  	[spmem:s3] =	stream.indirect.scatter.add.f32 @!p0 [tilespmem:s29], [sflag:$0x5], $0x1, s5, s22, $0xb8;
	[tilespmem:$0x1C300] =	vst v63  }
0x49: {  	_ =	swait.ge @!p0 [sflag:s20], $0x80  }
0x4a: {  	[sflag:s20] =	ssyncset.done @!p0 $0x0  }
0x4b: {  	s6 =	simm.s32 $0x280;
	[sflag:s20] =	ssyncadd.s32 @!p0 $0xFFFFFF80  }
0x4c: {  	[tilespmem:s19], [sflag:$0x2] =	stream.indirect.gather [hbm4b:s9+s17], $0x40, s6, s17, $0xb8;
	[tilespmem:$0x1C300] =	vst v63  }
0x4d: {  	_ =	swait.ge [sflag:s26], $0x2000  }
0x4e: {  	[sflag:s26] =	ssyncset.done $0x0  }
0x4f: {  	s5 =	simm.s32 $0x5100;
	[sflag:s26] =	ssyncadd.s32 $0xFFFFE000  }
0x50: {  	[spmem:s1] =	stream.indirect.scatter.add.f32 [tilespmem:s21], [sflag:$0x5], $0x40, s5, s17, $0xb8;
	[tilespmem:$0x1C300] =	vst v63  }
0x51: {  	_ =	swait.ge [sflag:s15], $0x2000  }
0x52: {  	[sflag:s15] =	ssyncset.done $0x0  }
0x53: {  	[sflag:s15] =	ssyncadd.s32 $0xFFFFE000  }
0x54: {  	[spmem:s3] =	stream.indirect.scatter.add.f32 @!p0 [tilespmem:s29], [sflag:$0x5], $0x1, s5, s22, $0xb8;
	[tilespmem:$0x1C300] =	vst v63  }
0x55: {  	_ =	swait.ge @!p0 [sflag:s20], $0x80  }
0x56: {  	[sflag:s20] =	ssyncset.done @!p0 $0x0  }
0x57: {  	s7 =	simm.s32 $0x300;
	[sflag:s20] =	ssyncadd.s32 @!p0 $0xFFFFFF80  }
0x58: {  	[tilespmem:s21], [sflag:$0x3] =	stream.indirect.gather [hbm4b:s9+s17], $0x40, s7, s17, $0xb8;
	[tilespmem:$0x1C300] =	vst v63  }
0x59: {  	_ =	swait.ge [sflag:s28], $0x2000  }
0x5a: {  	[sflag:s28] =	ssyncset.done $0x0  }
0x5b: {  	s5 =	simm.s32 $0x5180;
	[sflag:s28] =	ssyncadd.s32 $0xFFFFE000  }
0x5c: {  	[spmem:s1] =	stream.indirect.scatter.add.f32 [tilespmem:s23], [sflag:$0x5], $0x40, s5, s17, $0xb8;
	[tilespmem:$0x1C300] =	vst v63  }
0x5d: {  	_ =	swait.ge [sflag:s15], $0x2000  }
0x5e: {  	[sflag:s15] =	ssyncset.done $0x0  }
0x5f: {  	[sflag:s15] =	ssyncadd.s32 $0xFFFFE000  }
0x60: {  	[spmem:s3] =	stream.indirect.scatter.add.f32 @!p0 [tilespmem:s29], [sflag:$0x5], $0x1, s5, s22, $0xb8;
	[tilespmem:$0x1C300] =	vst v63  }
0x61: {  	_ =	swait.ge @!p0 [sflag:s20], $0x80  }
0x62: {  	[sflag:s20] =	ssyncset.done @!p0 $0x0  }
0x63: {  	s30 =	simm.s32 $0x800;
	s5 =	simm.s32 $0x380;
	[sflag:s20] =	ssyncadd.s32 @!p0 $0xFFFFFF80  }
.LBB2_2:
0x64: {  	[tilespmem:s23], [sflag:$0x4] =	stream.indirect.gather [hbm4b:s9+s17], $0x40, s5, s17, $0xb8;
	[tilespmem:$0x1C300] =	vst v63  }
0x65: {  	s5 =	smov.u32 s30;
	s30 =	sadd.s32 $0x800, s30;
	_ =	swait.ge [sflag:s24], $0x2000  }
0x66: {  	s5 =	sshra.s32 s5, $0x2;
	p1 =	sne.s32 s30, $0x13800;
	[sflag:s24] =	ssyncset.done $0x0  }
0x67: {  	s6 =	sadd.s32 $0x5000, s5;
	[sflag:s24] =	ssyncadd.s32 $0xFFFFE000  }
0x68: {  	[spmem:s1] =	stream.indirect.scatter.add.f32 [tilespmem:s18], [sflag:$0x5], $0x40, s6, s17, $0xb8;
	[tilespmem:$0x1C300] =	vst v63  }
0x69: {  	_ =	swait.ge [sflag:s15], $0x2000  }
0x6a: {  	[sflag:s15] =	ssyncset.done $0x0  }
0x6b: {  	[sflag:s15] =	ssyncadd.s32 $0xFFFFE000  }
0x6c: {  	[spmem:s3] =	stream.indirect.scatter.add.f32 @!p0 [tilespmem:s29], [sflag:$0x5], $0x1, s6, s22, $0xb8;
	[tilespmem:$0x1C300] =	vst v63  }
0x6d: {  	_ =	swait.ge @!p0 [sflag:s20], $0x80  }
0x6e: {  	[sflag:s20] =	ssyncset.done @!p0 $0x0  }
0x6f: {  	s6 =	sadd.s32 $0x200, s5;
	[sflag:s20] =	ssyncadd.s32 @!p0 $0xFFFFFF80  }
0x70: {  	[tilespmem:s18], [sflag:$0x1] =	stream.indirect.gather [hbm4b:s9+s17], $0x40, s6, s17, $0xb8;
	[tilespmem:$0x1C300] =	vst v63  }
0x71: {  	_ =	swait.ge [sflag:s25], $0x2000  }
0x72: {  	[sflag:s25] =	ssyncset.done $0x0  }
0x73: {  	s6 =	sadd.s32 $0x5080, s5;
	[sflag:s25] =	ssyncadd.s32 $0xFFFFE000  }
0x74: {  	[spmem:s1] =	stream.indirect.scatter.add.f32 [tilespmem:s19], [sflag:$0x5], $0x40, s6, s17, $0xb8;
	[tilespmem:$0x1C300] =	vst v63  }
0x75: {  	_ =	swait.ge [sflag:s15], $0x2000  }
0x76: {  	[sflag:s15] =	ssyncset.done $0x0  }
0x77: {  	[sflag:s15] =	ssyncadd.s32 $0xFFFFE000  }
0x78: {  	[spmem:s3] =	stream.indirect.scatter.add.f32 @!p0 [tilespmem:s29], [sflag:$0x5], $0x1, s6, s22, $0xb8;
	[tilespmem:$0x1C300] =	vst v63  }
0x79: {  	_ =	swait.ge @!p0 [sflag:s20], $0x80  }
0x7a: {  	[sflag:s20] =	ssyncset.done @!p0 $0x0  }
0x7b: {  	s6 =	sadd.s32 $0x280, s5;
	[sflag:s20] =	ssyncadd.s32 @!p0 $0xFFFFFF80  }
0x7c: {  	[tilespmem:s19], [sflag:$0x2] =	stream.indirect.gather [hbm4b:s9+s17], $0x40, s6, s17, $0xb8;
	[tilespmem:$0x1C300] =	vst v63  }
0x7d: {  	_ =	swait.ge [sflag:s26], $0x2000  }
0x7e: {  	[sflag:s26] =	ssyncset.done $0x0  }
0x7f: {  	s6 =	sadd.s32 $0x5100, s5;
	[sflag:s26] =	ssyncadd.s32 $0xFFFFE000  }
0x80: {  	[spmem:s1] =	stream.indirect.scatter.add.f32 [tilespmem:s21], [sflag:$0x5], $0x40, s6, s17, $0xb8;
	[tilespmem:$0x1C300] =	vst v63  }
0x81: {  	_ =	swait.ge [sflag:s15], $0x2000  }
0x82: {  	[sflag:s15] =	ssyncset.done $0x0  }
0x83: {  	[sflag:s15] =	ssyncadd.s32 $0xFFFFE000  }
0x84: {  	[spmem:s3] =	stream.indirect.scatter.add.f32 @!p0 [tilespmem:s29], [sflag:$0x5], $0x1, s6, s22, $0xb8;
	[tilespmem:$0x1C300] =	vst v63  }
0x85: {  	_ =	swait.ge @!p0 [sflag:s20], $0x80  }
0x86: {  	[sflag:s20] =	ssyncset.done @!p0 $0x0  }
0x87: {  	s6 =	sadd.s32 $0x300, s5;
	[sflag:s20] =	ssyncadd.s32 @!p0 $0xFFFFFF80  }
0x88: {  	[tilespmem:s21], [sflag:$0x3] =	stream.indirect.gather [hbm4b:s9+s17], $0x40, s6, s17, $0xb8;
	[tilespmem:$0x1C300] =	vst v63  }
0x89: {  	_ =	swait.ge [sflag:s28], $0x2000  }
0x8a: {  	[sflag:s28] =	ssyncset.done $0x0  }
0x8b: {  	s6 =	sadd.s32 $0x5180, s5;
	[sflag:s28] =	ssyncadd.s32 $0xFFFFE000  }
0x8c: {  	[spmem:s1] =	stream.indirect.scatter.add.f32 [tilespmem:s23], [sflag:$0x5], $0x40, s6, s17, $0xb8;
	[tilespmem:$0x1C300] =	vst v63  }
0x8d: {  	_ =	swait.ge [sflag:s15], $0x2000  }
0x8e: {  	[sflag:s15] =	ssyncset.done $0x0  }
.Ltmp0:
0x8f: {  	[sflag:s15] =	ssyncadd.s32 $0xFFFFE000;
	(pc) =	sbr.rel @p1 .LBB2_2-.Ltmp0, $4  }
0x90: {  	[spmem:s3] =	stream.indirect.scatter.add.f32 @!p0 [tilespmem:s29], [sflag:$0x5], $0x1, s6, s22, $0xb8;
	[tilespmem:$0x1C300] =	vst v63  }
0x91: {  	_ =	swait.ge @!p0 [sflag:s20], $0x80  }
0x92: {  	[sflag:s20] =	ssyncset.done @!p0 $0x0  }
0x93: {  	s5 =	sadd.s32 $0x380, s5;
	[sflag:s20] =	ssyncadd.s32 @!p0 $0xFFFFFF80  }
0x94: {  	[tilespmem:s23], [sflag:$0x4] =	stream.indirect.gather [hbm4b:s9+s17], $0x40, s5, s17, $0xb8;
	[tilespmem:$0x1C300] =	vst v63  }
0x95: {  	_ =	swait.ge [sflag:s24], $0x2000  }
0x96: {  	[sflag:s24] =	ssyncset.done $0x0  }
0x97: {  	s7 =	simm.s32 $0x9E00;
	[sflag:s24] =	ssyncadd.s32 $0xFFFFE000  }
0x98: {  	[spmem:s1] =	stream.indirect.scatter.add.f32 [tilespmem:s18], [sflag:$0x5], $0x40, s7, s17, $0xb8;
	[tilespmem:$0x1C300] =	vst v63  }
0x99: {  	_ =	swait.ge [sflag:s15], $0x2000  }
0x9a: {  	[sflag:s15] =	ssyncset.done $0x0  }
0x9b: {  	s5 =	simm.s32 @p0 $0x2;
	[sflag:s15] =	ssyncadd.s32 $0xFFFFE000  }
0x9c: {  	_ =	swait.ge @p0 [sflag:s5], $0x2000  }
0x9d: {  	s6 =	simm.s32 @p0 $0x9E80;
	[sflag:s5] =	ssyncset.done @p0 $0x0  }
0x9e: {  	s30 =	simm.s32 @p0 $0xC000;
	[sflag:s5] =	ssyncadd.s32 @p0 $0xFFFFE000;
	s5 =	simm.s32 @p0 $0x80  }
0x9f: {  	[spmem:s1] =	stream.indirect.scatter.add.f32 @p0 [tilespmem:s30], [sflag:$0x5], $0x40, s6, s5, $0xb8;
	[tilespmem:$0x1C300] =	vst v63  }
0xa0: {  	s6 =	simm.s32 @p0 $0x5  }
0xa1: {  	_ =	swait.ge @p0 [sflag:s6], $0x2000  }
0xa2: {  	[sflag:s6] =	ssyncset.done @p0 $0x0  }
0xa3: {  	s30 =	simm.s32 @!p0 $0x9E00;
	[sflag:s6] =	ssyncadd.s32 @p0 $0xFFFFE000  }
0xa4: {  	[spmem:s3] =	stream.indirect.scatter.add.f32 @!p0 [tilespmem:s29], [sflag:$0x5], $0x1, s30, s22, $0xb8;
	[tilespmem:$0x1C300] =	vst v63  }
0xa5: {  	_ =	swait.ge @!p0 [sflag:s20], $0x80  }
0xa6: {  	[sflag:s20] =	ssyncset.done @!p0 $0x0  }
0xa7: {  	s30 =	simm.s32 @!p0 $0x2;
	[sflag:s20] =	ssyncadd.s32 @!p0 $0xFFFFFF80  }
0xa8: {  	_ =	swait.ge @!p0 [sflag:s30], $0x2000  }
0xa9: {  	[sflag:s30] =	ssyncset.done @!p0 $0x0  }
0xaa: {  	s7 =	simm.s32 @!p0 $0xC000;
	[sflag:s30] =	ssyncadd.s32 @!p0 $0xFFFFE000;
	s30 =	simm.s32 @!p0 $0x9E80  }
0xab: {  	[spmem:s1] =	stream.indirect.scatter.add.f32 @!p0 [tilespmem:s7], [sflag:$0x5], $0x40, s30, s22, $0xb8;
	[tilespmem:$0x1C300] =	vst v63  }
0xac: {  	_ =	swait.ge @!p0 [sflag:s20], $0x2000  }
0xad: {  	[sflag:s20] =	ssyncset.done @!p0 $0x0  }
0xae: {  	[sflag:s20] =	ssyncadd.s32 @!p0 $0xFFFFE000  }
0xaf: {  	[spmem:s3] =	stream.indirect.scatter.add.f32 @!p0 [tilespmem:s29], [sflag:$0x5], $0x1, s30, s22, $0xb8;
	[tilespmem:$0x1C300] =	vst v63  }
0xb0: {  	_ =	swait.ge @!p0 [sflag:s20], $0x80  }
0xb1: {  	[sflag:s20] =	ssyncset.done @!p0 $0x0  }
0xb2: {  	[sflag:s20] =	ssyncadd.s32 @!p0 $0xFFFFFF80  }
0xb3: {  	_ =	swait.ge [sflag:s26], $0x2000  }
0xb4: {  	[sflag:s26] =	ssyncset.done $0x0  }
0xb5: {  	s30 =	simm.s32 $0x9F00;
	[sflag:s26] =	ssyncadd.s32 $0xFFFFE000  }
0xb6: {  	[spmem:s1] =	stream.indirect.scatter.add.f32 [tilespmem:s21], [sflag:$0x5], $0x40, s30, s17, $0xb8;
	[tilespmem:$0x1C300] =	vst v63  }
0xb7: {  	_ =	swait.ge [sflag:s15], $0x2000  }
0xb8: {  	[sflag:s15] =	ssyncset.done $0x0  }
0xb9: {  	s7 =	simm.s32 @p0 $0x4;
	[sflag:s15] =	ssyncadd.s32 $0xFFFFE000  }
0xba: {  	_ =	swait.ge @p0 [sflag:s7], $0x2000  }
0xbb: {  	[sflag:s7] =	ssyncset.done @p0 $0x0  }
0xbc: {  	s30 =	simm.s32 @p0 $0x10000;
	[sflag:s7] =	ssyncadd.s32 @p0 $0xFFFFE000;
	s7 =	simm.s32 @p0 $0x9F80  }
0xbd: {  	[spmem:s1] =	stream.indirect.scatter.add.f32 @p0 [tilespmem:s30], [sflag:$0x5], $0x40, s7, s5, $0xb8;
	[tilespmem:$0x1C300] =	vst v63  }
0xbe: {  	_ =	swait.ge @p0 [sflag:s6], $0x2000  }
0xbf: {  	[sflag:s6] =	ssyncset.done @p0 $0x0  }
0xc0: {  	s5 =	simm.s32 @!p0 $0x9F00;
	[sflag:s6] =	ssyncadd.s32 @p0 $0xFFFFE000  }
0xc1: {  	[spmem:s3] =	stream.indirect.scatter.add.f32 @!p0 [tilespmem:s29], [sflag:$0x5], $0x1, s5, s22, $0xb8;
	[tilespmem:$0x1C300] =	vst v63  }
0xc2: {  	_ =	swait.ge @!p0 [sflag:s20], $0x80  }
0xc3: {  	[sflag:s20] =	ssyncset.done @!p0 $0x0  }
0xc4: {  	s5 =	simm.s32 @!p0 $0x4;
	[sflag:s20] =	ssyncadd.s32 @!p0 $0xFFFFFF80  }
0xc5: {  	_ =	swait.ge @!p0 [sflag:s5], $0x2000  }
0xc6: {  	[sflag:s5] =	ssyncset.done @!p0 $0x0  }
0xc7: {  	s6 =	simm.s32 @!p0 $0x10000;
	[sflag:s5] =	ssyncadd.s32 @!p0 $0xFFFFE000;
	s5 =	simm.s32 @!p0 $0x9F80  }
0xc8: {  	[spmem:s1] =	stream.indirect.scatter.add.f32 @!p0 [tilespmem:s6], [sflag:$0x5], $0x40, s5, s22, $0xb8;
	[tilespmem:$0x1C300] =	vst v63  }
0xc9: {  	_ =	swait.ge @!p0 [sflag:s20], $0x2000  }
0xca: {  	[sflag:s20] =	ssyncset.done @!p0 $0x0  }
0xcb: {  	[sflag:s20] =	ssyncadd.s32 @!p0 $0xFFFFE000  }
0xcc: {  	[spmem:s3] =	stream.indirect.scatter.add.f32 @!p0 [tilespmem:s29], [sflag:$0x5], $0x1, s5, s22, $0xb8;
	[tilespmem:$0x1C300] =	vst v63  }
0xcd: {  	_ =	swait.ge @!p0 [sflag:s20], $0x80  }
0xce: {  	[sflag:s20] =	ssyncset.done @!p0 $0x0  }
0xcf: {  	[sflag:s20] =	ssyncadd.s32 @!p0 $0xFFFFFF80  }
0xd0: {  	[bflag:$0x0] =	sbarrier.arrive $0xFFFF  }
0xd1: {  	[hbm:s12], [sflag:s0] =	dma.local [spmem:s16], $0x1400  }
0xd2: {  	s31 =	sadd.s32 $0x1, s31;
	_ =	swait.ge [sflag:s15], $0x1400  }
0xd3: {  	p1 =	sne.s32 s31, s14;
	[sflag:s15] =	ssyncset.done $0x0  }
.Ltmp1:
0xd4: {  	[sflag:s15] =	ssyncadd.s32 $0xFFFFEC00;
	(pc) =	sbr.rel @p1 .LBB2_1-.Ltmp1, $4  }
0xd5: {  	[hbm:s13], [sflag:s0] =	dma.local [spmem:s2], $0x50  }
0xd6: {  	_ =	swait.ge [sflag:s15], $0x50  }
0xd7: {  	[sflag:s15] =	ssyncset.done $0x0  }
0xd8: {  	[sflag:s15] =	ssyncadd.s32 $0xFFFFFFB0  }
0xd9: {  	_ =	sfence.sel $0x180000  }
0xda: {  	[bflag:$0x0] =	sbarrier.arrive $0xFFFF  }
0xdb: {  	_ =	strace $0x90000047  }
0xdc: {  	s0 =	stileid.u32;
	[bflag:$0x2] =	sbarrier.arrive $0xFFFF  }
0xdd: {  	p0 =	sne.s32 s0, $0x0;
	s0 =	rddreg [dreg:$0x4]  }
0xde: {  	s0 =	sadd.s32 @!p0 $0x100000, s0  }
0xdf: {  	[sflag:s0] =	ssyncadd.tile.s32 @!p0 $0x1;
	_ =	shalt  }
.Lfunc_end2:
_tile_overlayer_lowered:
.L_overlay_start_2:
0xe0: {  	(tag) =	ssettag $0x2  }
0xe1: {  	s0 =	rddreg [dreg:$0x0];
	s2 =	stileid.u32  }
0xe2: {  	s1 =	rddreg [dreg:$0x1];
	p0 =	sne.s32 s2, $0x0  }
0xe3: {  	s3 =	rddreg [dreg:$0x2];
	[bflag:$0x3] =	sbarrier.arrive $0xFFFF;
	s2 =	simm.s32 @!p0 $0x1C05  }
0xe4: {  	[timem:s3], [sflag:s2] =	dma.local @!p0 [hbm:s0], s1  }
0xe5: {  	s0 =	simm.s32 @!p0 $0x5  }
0xe6: {  	_ =	swait.ge @!p0 [sflag:s0], s1  }
0xe7: {  	s1 =	ssub.s32 @!p0 $0x0, s1;
	[sflag:s0] =	ssyncset.done @!p0 $0x0  }
0xe8: {  	[sflag:s0] =	ssyncadd.s32 @!p0 s1  }
0xe9: {  	[bflag:$0x3] =	sbarrier.arrive $0xFFFF  }
0xea: {  	_ =	shalt  }

</sc_bundles>
